<compile_context>
chip_gen: v7x
topology: tpu7x:2x2x1
jax: 0.10.2.dev20260603
libtpu: 0.0.44.dev20260713+nightly
codegen_flags: <defaults>
</compile_context>

<pallas_src>
import functools

import jax
import jax.numpy as jnp
from jax import lax
from jax.experimental import pallas as pl
from jax.experimental.pallas import tpu as pltpu
from jax.experimental.pallas import tpu_sc as plsc

CONF_THRES = 0.1
IOU_THRES = 0.6
MAX_DET = 100
IMG_SIZE = 512.0

_N = 5000
_NP = 5120
_R, _C = 8, 640
_DET = 128

_LEVELS = (
    (64, 64, 192, 1.0 / 8, 0),
    (32, 32, 384, 1.0 / 16, 192),
    (16, 16, 576, 1.0 / 32, 576),
    (8, 8, 768, 1.0 / 64, 1152),
)


def _nms_body(sc_ref, x1_ref, y1_ref, x2_ref, y2_ref, bsm_ref,
              keep_ref, idx_ref, w_ref, bv_ref):
    s0 = jnp.where(sc_ref[:, :] > CONF_THRES, sc_ref[:, :], -1.0)
    lane_iota = lax.broadcasted_iota(jnp.int32, (1, _DET), 1)

    def step(t, carry):
        s, keep_row, vx1, vy1, vx2, vy2, vvalid = carry
        x1 = x1_ref[:, :]
        y1 = y1_ref[:, :]
        x2 = x2_ref[:, :]
        y2 = y2_ref[:, :]
        ridx = lax.broadcasted_iota(jnp.int32, (_R, _C), 0)
        cidx = lax.broadcasted_iota(jnp.int32, (_R, _C), 1)
        gidx = ridx * _C + cidx
        rowmax = jnp.max(s, axis=1, keepdims=True)
        rowarg = jnp.argmax(s, axis=1, keepdims=True)
        riota = lax.broadcasted_iota(jnp.int32, (_R, 1), 0)
        best = jnp.max(rowmax, axis=0, keepdims=True)
        rhit = rowmax == best
        r = jnp.min(jnp.where(rhit, riota, _R), axis=0, keepdims=True)
        carg = jnp.min(jnp.where(riota == r, rowarg, _C),
                       axis=0, keepdims=True)
        idxv = r * _C + carg
        idx_s = idxv[0, 0]
        base = idx_s * 4
        bx1 = bsm_ref[base]
        by1 = bsm_ref[base + 1]
        bx2 = bsm_ref[base + 2]
        by2 = bsm_ref[base + 3]
        barea = (bx2 - bx1) * (by2 - by1)
        area = (x2 - x1) * (y2 - y1)
        xx1 = jnp.maximum(bx1, x1)
        yy1 = jnp.maximum(by1, y1)
        xx2 = jnp.minimum(bx2, x2)
        yy2 = jnp.minimum(by2, y2)
        inter = jnp.maximum(xx2 - xx1, 0.0) * jnp.maximum(yy2 - yy1, 0.0)
        iou = inter / (barea + area - inter + 1e-9)
        pos = best > 0.0
        suppress = ((iou > IOU_THRES) | (gidx == idx_s)) & pos
        s_new = jnp.where(suppress, -1.0, s)
        pos0 = pos[0:1, 0:1]
        out_idx = jnp.where(pos0, idx_s, -1)
        lane_m = lane_iota == t
        keep_row = jnp.where(lane_m, out_idx, keep_row)
        vx1 = jnp.where(lane_m, bx1, vx1)
        vy1 = jnp.where(lane_m, by1, vy1)
        vx2 = jnp.where(lane_m, bx2, vx2)
        vy2 = jnp.where(lane_m, by2, vy2)
        vvalid = jnp.where(lane_m & pos0, 1.0, vvalid)
        return (s_new, keep_row, vx1, vy1, vx2, vy2, vvalid)

    rowz = jnp.zeros((1, _DET), jnp.float32)
    init = (s0, jnp.full((1, _DET), -1, jnp.int32),
            rowz, rowz, rowz, rowz, rowz)
    s_fin, keep_row, vx1, vy1, vx2, vy2, vvalid = lax.fori_loop(
        0, MAX_DET, step, init)

    keep_ref[:, :] = jnp.broadcast_to(keep_row, (8, _DET))

    cx = (vx1 + vx2) * 0.5
    cy = (vy1 + vy2) * 0.5

    idx_lvl_rows = []
    w_rows = []
    for (H, W, C, scale, off) in _LEVELS:
        x = jnp.clip(cx * scale - 0.5, 0.0, W - 1.0)
        y = jnp.clip(cy * scale - 0.5, 0.0, H - 1.0)
        x0f = jnp.floor(x)
        y0f = jnp.floor(y)
        x0 = x0f.astype(jnp.int32)
        y0 = y0f.astype(jnp.int32)
        x1i = jnp.minimum(x0 + 1, W - 1)
        y1i = jnp.minimum(y0 + 1, H - 1)
        wx = x - x0f
        wy = y - y0f
        idx_lvl_rows.append(jnp.concatenate(
            [y0 * W + x0, y0 * W + x1i, y1i * W + x0, y1i * W + x1i], axis=1))
        w_rows += [(1 - wx) * (1 - wy), wx * (1 - wy), (1 - wx) * wy, wx * wy]

    idx_ref[:, :] = jnp.concatenate(
        idx_lvl_rows + [jnp.zeros((4, 4 * _DET), jnp.int32)], axis=0)
    w_ref[:, :] = jnp.concatenate(w_rows, axis=0).T
    bv_ref[:, :] = jnp.concatenate(
        [vx1, vy1, vx2, vy2, vvalid,
         jnp.zeros((3, _DET), jnp.float32)], axis=0).T


_mesh = plsc.VectorSubcoreMesh(core_axis_name="c", subcore_axis_name="s")


@functools.partial(
    pl.kernel, mesh=_mesh,
    out_type=[
        jax.ShapeDtypeStruct((4 * _DET, 256), jnp.float32),
        jax.ShapeDtypeStruct((4 * _DET, 384), jnp.float32),
        jax.ShapeDtypeStruct((4 * _DET, 640), jnp.float32),
        jax.ShapeDtypeStruct((4 * _DET, 768), jnp.float32),
    ],
    scratch_types=[
        pltpu.VMEM((16,), jnp.int32),
        pltpu.VMEM((16, 256), jnp.float32),
        pltpu.VMEM((16, 384), jnp.float32),
        pltpu.VMEM((16, 640), jnp.float32),
        pltpu.VMEM((16, 768), jnp.float32),
        pltpu.SemaphoreType.DMA,
    ],
)
def _sc_gather(idx_hbm, f1_hbm, f2_hbm, f3_hbm, f4_hbm,
               o1_hbm, o2_hbm, o3_hbm, o4_hbm,
               idx_v, r1, r2, r3, r4, sem):
    wid = lax.axis_index("s") * 2 + lax.axis_index("c")
    base = wid * 16
    for l, (fh, oh, rv) in enumerate((
            (f1_hbm, o1_hbm, r1), (f2_hbm, o2_hbm, r2),
            (f3_hbm, o3_hbm, r3), (f4_hbm, o4_hbm, r4))):
        pltpu.sync_copy(idx_hbm.at[l, pl.ds(base, 16)], idx_v)
        pltpu.async_copy(fh.at[idx_v], rv, sem).wait()
        pltpu.sync_copy(rv, oh.at[pl.ds(base, 16)])


def _mlp_body(r1_ref, r2_ref, r3_ref, r4_ref, w_ref, bv_ref,
              w1_ref, b1_ref, w2_ref, b2_ref, out_ref):
    h = jnp.zeros((_DET, 64), jnp.float32)
    rrefs = (r1_ref, r2_ref, r3_ref, r4_ref)
    for li, ((H, W, C, scale, off), rref) in enumerate(zip(_LEVELS, rrefs)):
        Cp = rref.shape[1]
        p = jnp.zeros((_DET, Cp), jnp.float32)
        for c in range(4):
            j = 4 * li + c
            p = p + w_ref[:, j:j + 1] * rref[c * _DET:(c + 1) * _DET, :]
        h = h + jnp.dot(p[:, 0:C], w1_ref[off:off + C, :],
                        preferred_element_type=jnp.float32)
    h = h + b1_ref[:, :]
    h = jnp.where(h > 0, h, 0.01 * h)
    h = jnp.dot(h, w2_ref[:, :], preferred_element_type=jnp.float32) + b2_ref[:, :]
    h = jnp.where(h > 0, h, 0.01 * h)
    out = jnp.concatenate(
        [bv_ref[:, 0:4] * (1.0 / IMG_SIZE), h], axis=1)
    out_ref[:, :] = out * bv_ref[:, 4:5]


def kernel(boxes, scores, feat1, feat2, feat3, feat4, W1, b1, W2, b2):
    pad = _NP - _N
    bt = jnp.pad(boxes.T, ((0, 0), (0, pad)))
    x1 = bt[0].reshape(_R, _C)
    y1 = bt[1].reshape(_R, _C)
    x2 = bt[2].reshape(_R, _C)
    y2 = bt[3].reshape(_R, _C)
    sp = jnp.pad(scores, (0, pad)).reshape(_R, _C)
    bsm = jnp.pad(boxes, ((0, pad), (0, 0))).reshape(-1)
    f1 = jnp.pad(feat1.reshape(192, 64 * 64).T, ((0, 0), (0, 64)))
    f2 = feat2.reshape(384, 32 * 32).T
    f3 = jnp.pad(feat3.reshape(576, 16 * 16).T, ((0, 0), (0, 64)))
    f4 = feat4.reshape(768, 8 * 8).T
    vmem = pl.BlockSpec(memory_space=pltpu.VMEM)
    keep_p, idx_sc, w_cols, bv = pl.pallas_call(
        _nms_body,
        in_specs=[vmem, vmem, vmem, vmem, vmem,
                  pl.BlockSpec(memory_space=pltpu.SMEM)],
        out_shape=[
            jax.ShapeDtypeStruct((8, _DET), jnp.int32),
            jax.ShapeDtypeStruct((8, 4 * _DET), jnp.int32),
            jax.ShapeDtypeStruct((_DET, 16), jnp.float32),
            jax.ShapeDtypeStruct((_DET, 8), jnp.float32),
        ],
    )(sp, x1, y1, x2, y2, bsm)
    r1, r2, r3, r4 = _sc_gather(idx_sc, f1, f2, f3, f4)
    out_p = pl.pallas_call(
        _mlp_body,
        out_shape=jax.ShapeDtypeStruct((_DET, 68), jnp.float32),
    )(r1, r2, r3, r4, w_cols, bv, W1, b1.reshape(1, 64),
      W2, b2.reshape(1, 64))
    return out_p[:MAX_DET], keep_p[0, :MAX_DET]

# --- scband reference (transcript-rebuilt; emitter-appended) ---
"""Pipeline reference for scband-gnn-53463752901227 (READ-ONLY COPY).

The authoritative reference and input builder live on the scoring server;
editing this copy changes nothing except your own understanding.
"""

import jax, jax.numpy as jnp
import numpy as np
from jax import lax

CONF_THRES = 0.1
IOU_THRES = 0.6
MAX_DET = 100
IMG_SIZE = 512.0


def setup_inputs(seed: int = 0):
    key = jax.random.key(seed)
    ks = jax.random.split(key, 12)
    N = 5000
    raw = jax.random.uniform(ks[0], (N, 4))
    cx = raw[:, 0] * IMG_SIZE
    cy = raw[:, 1] * IMG_SIZE
    w = raw[:, 2] * 128.0 + 8.0
    h = raw[:, 3] * 128.0 + 8.0
    boxes = jnp.stack([cx - w / 2, cy - h / 2, cx + w / 2, cy + h / 2], axis=1)
    boxes = jnp.clip(boxes, 0.0, IMG_SIZE)
    scores = jax.random.uniform(ks[1], (N,))
    feat1 = jax.random.normal(ks[2], (192, 64, 64), dtype=jnp.float32)
    feat2 = jax.random.normal(ks[3], (384, 32, 32), dtype=jnp.float32)
    feat3 = jax.random.normal(ks[4], (576, 16, 16), dtype=jnp.float32)
    feat4 = jax.random.normal(ks[5], (768, 8, 8), dtype=jnp.float32)
    W1 = jax.random.normal(ks[6], (1920, 64), dtype=jnp.float32) * 0.02
    b1 = jnp.zeros((64,), dtype=jnp.float32)
    W2 = jax.random.normal(ks[7], (64, 64), dtype=jnp.float32) * 0.05
    b2 = jnp.zeros((64,), dtype=jnp.float32)
    return {"boxes": boxes, "scores": scores, "feat1": feat1, "feat2": feat2,
            "feat3": feat3, "feat4": feat4, "W1": W1, "b1": b1, "W2": W2, "b2": b2}


def _nms(boxes, scores):
    N = boxes.shape[0]
    areas = (boxes[:, 2] - boxes[:, 0]) * (boxes[:, 3] - boxes[:, 1])
    s0 = jnp.where(scores > CONF_THRES, scores, -1.0)
    arange = jnp.arange(N)

    def step(s, _):
        idx = jnp.argmax(s)
        best = s[idx]
        b = boxes[idx]
        xx1 = jnp.maximum(b[0], boxes[:, 0])
        yy1 = jnp.maximum(b[1], boxes[:, 1])
        xx2 = jnp.minimum(b[2], boxes[:, 2])
        yy2 = jnp.minimum(b[3], boxes[:, 3])
        inter = jnp.maximum(xx2 - xx1, 0.0) * jnp.maximum(yy2 - yy1, 0.0)
        iou = inter / (areas[idx] + areas - inter + 1e-9)
        suppress = (iou > IOU_THRES) | (arange == idx)
        s_new = jnp.where(best > 0.0, jnp.where(suppress, -1.0, s), s)
        out_idx = jnp.where(best > 0.0, idx, -1)
        return s_new, out_idx

    _, keep = lax.scan(step, s0, None, length=MAX_DET)
    return keep


def _bilinear(feat, x, y):
    C, H, W = feat.shape
    x = jnp.clip(x, 0.0, W - 1.0)
    y = jnp.clip(y, 0.0, H - 1.0)
    x0 = jnp.floor(x).astype(jnp.int32)
    y0 = jnp.floor(y).astype(jnp.int32)
    x1 = jnp.minimum(x0 + 1, W - 1)
    y1 = jnp.minimum(y0 + 1, H - 1)
    wx = x - x0.astype(x.dtype)
    wy = y - y0.astype(y.dtype)
    f00 = feat[:, y0, x0]
    f01 = feat[:, y0, x1]
    f10 = feat[:, y1, x0]
    f11 = feat[:, y1, x1]
    val = (f00 * (1 - wx) * (1 - wy) + f01 * wx * (1 - wy)
           + f10 * (1 - wx) * wy + f11 * wx * wy)
    return val.T


def _roi_feats(bbox, feat1, feat2, feat3, feat4):
    cx = (bbox[:, 0] + bbox[:, 2]) * 0.5
    cy = (bbox[:, 1] + bbox[:, 3]) * 0.5
    parts = []
    for feat, scale in ((feat1, 1.0 / 8), (feat2, 1.0 / 16), (feat3, 1.0 / 32), (feat4, 1.0 / 64)):
        parts.append(_bilinear(feat, cx * scale - 0.5, cy * scale - 0.5))
    return jnp.concatenate(parts, axis=1)


def _forward(boxes, scores, feat1, feat2, feat3, feat4, W1, b1, W2, b2, keep):
    valid = (keep >= 0).astype(boxes.dtype)
    idx = jnp.maximum(keep, 0)
    bbox = boxes[idx]
    f = _roi_feats(bbox, feat1, feat2, feat3, feat4)
    f = jax.nn.leaky_relu(f @ W1 + b1)
    f = jax.nn.leaky_relu(f @ W2 + b2)
    out = jnp.concatenate([bbox / IMG_SIZE, f], axis=1)
    out = out * valid[:, None]
    return out


def reference(boxes, scores, feat1, feat2, feat3, feat4, W1, b1, W2, b2):
    keep = _nms(boxes, scores)
    out = _forward(boxes, scores, feat1, feat2, feat3, feat4, W1, b1, W2, b2, keep)
    return out, keep

if __name__ == "__main__":
    import jax
    _d = setup_inputs()
    print(jax.jit(kernel)(*tuple(_d.values())))

</pallas_src>

<mosaic_0001>
#map = affine_map<(d0, d1) -> (0, 0)>
module attributes {stable_mosaic.version = 14 : i64} {
  func.func @_sc_gather(%arg0: i32, %arg1: i32, %arg2: memref<8x512xi32, #tpu.memory_space<hbm>>, %arg3: memref<4096x256xf32, #tpu.memory_space<hbm>>, %arg4: memref<1024x384xf32, #tpu.memory_space<hbm>>, %arg5: memref<256x640xf32, #tpu.memory_space<hbm>>, %arg6: memref<64x768xf32, #tpu.memory_space<hbm>>, %arg7: memref<512x256xf32, #tpu.memory_space<hbm>>, %arg8: memref<512x384xf32, #tpu.memory_space<hbm>>, %arg9: memref<512x640xf32, #tpu.memory_space<hbm>>, %arg10: memref<512x768xf32, #tpu.memory_space<hbm>>, %arg11: memref<16xi32, #tpu.memory_space<vmem>>, %arg12: memref<16x256xf32, #tpu.memory_space<vmem>>, %arg13: memref<16x384xf32, #tpu.memory_space<vmem>>, %arg14: memref<16x640xf32, #tpu.memory_space<vmem>>, %arg15: memref<16x768xf32, #tpu.memory_space<vmem>>, %arg16: memref<!tpu.dma_semaphore, #tpu.memory_space<semaphore_mem>>) attributes {dimension_semantics = [#tpu.dimension_semantics<core_parallel>, #tpu.dimension_semantics<subcore_parallel>], iteration_bounds = array<i64: 2, 16>, scalar_prefetch = 0 : i64, scratch_operands = 6 : i64, tpu.core_type = #tpu.core_type<sc_vector_subcore>, window_params = [{transform_indices = #map}, {transform_indices = #map}, {transform_indices = #map}, {transform_indices = #map}, {transform_indices = #map}, {transform_indices = #map}, {transform_indices = #map}, {transform_indices = #map}, {transform_indices = #map}]} {
    %mul3A = arith.constant 2 : i32
    %mul3A_0 = arith.muli %arg1, %mul3A : i32
    %add3A = arith.addi %mul3A_0, %arg0 : i32
    %mul3A_1 = arith.constant 16 : i32
    %mul3A_2 = arith.muli %add3A, %mul3A_1 : i32
    %run_scoped3A = arith.constant 0 : i32
    "tpu.region"() ({
      %run_scoped3A_28 = tpu.sem_alloc : memref<!tpu.dma_semaphore, #tpu.memory_space<semaphore_mem>>
      %dma_start3A_29 = tpu.memref_slice %arg2[%run_scoped3A, %mul3A_2] : memref<8x512xi32, #tpu.memory_space<hbm>> -> memref<1x16xi32, #tpu.memory_space<hbm>>
      %dma_start3A_30 = tpu.memref_squeeze %dma_start3A_29 : memref<1x16xi32, #tpu.memory_space<hbm>> -> memref<16xi32, #tpu.memory_space<hbm>>
      %dma_start3A_31 = tpu.memref_slice %arg2[%run_scoped3A, %mul3A_2] : memref<8x512xi32, #tpu.memory_space<hbm>> -> memref<1x16xi32, #tpu.memory_space<hbm>>
      %dma_start3A_32 = tpu.memref_squeeze %dma_start3A_31 : memref<1x16xi32, #tpu.memory_space<hbm>> -> memref<16xi32, #tpu.memory_space<hbm>>
      tpu.enqueue_dma source(%dma_start3A_32 : memref<16xi32, #tpu.memory_space<hbm>>) target(%arg11 : memref<16xi32, #tpu.memory_space<vmem>>) target_semaphore(%run_scoped3A_28 : memref<!tpu.dma_semaphore, #tpu.memory_space<semaphore_mem>>)
      %dma_wait3A_33 = tpu.memref_slice %arg2[%run_scoped3A, %mul3A_2] : memref<8x512xi32, #tpu.memory_space<hbm>> -> memref<1x16xi32, #tpu.memory_space<hbm>>
      %dma_wait3A_34 = tpu.memref_squeeze %dma_wait3A_33 : memref<1x16xi32, #tpu.memory_space<hbm>> -> memref<16xi32, #tpu.memory_space<hbm>>
      %dma_wait3A_35 = tpu.memref_slice %arg2[%run_scoped3A, %mul3A_2] : memref<8x512xi32, #tpu.memory_space<hbm>> -> memref<1x16xi32, #tpu.memory_space<hbm>>
      %dma_wait3A_36 = tpu.memref_squeeze %dma_wait3A_35 : memref<1x16xi32, #tpu.memory_space<hbm>> -> memref<16xi32, #tpu.memory_space<hbm>>
      tpu.wait_dma2 semaphore(%run_scoped3A_28 : memref<!tpu.dma_semaphore, #tpu.memory_space<semaphore_mem>>) src(%dma_wait3A_36 : memref<16xi32, #tpu.memory_space<hbm>>) dst(%arg11 : memref<16xi32, #tpu.memory_space<vmem>>)
      tpu.yield
    }) : () -> ()
    %dma_start3A = arith.constant 0 : i32
    %dma_start3A_3 = arith.constant 0 : i32
    %dma_start3A_4 = tpu.memref_slice %arg3[%dma_start3A, %dma_start3A_3] : memref<4096x256xf32, #tpu.memory_space<hbm>> -> memref<4096x256xf32, #tpu.memory_space<hbm>>
    tpu.enqueue_indirect_dma source(%dma_start3A_4 : memref<4096x256xf32, #tpu.memory_space<hbm>>) target(%arg12 : memref<16x256xf32, #tpu.memory_space<vmem>>) offsets(%arg11 : memref<16xi32, #tpu.memory_space<vmem>>) semaphore(%arg16 : memref<!tpu.dma_semaphore, #tpu.memory_space<semaphore_mem>>)
    %dma_wait3A = arith.constant 0 : i32
    %dma_wait3A_5 = arith.constant 0 : i32
    %dma_wait3A_6 = tpu.memref_slice %arg3[%dma_wait3A, %dma_wait3A_5] : memref<4096x256xf32, #tpu.memory_space<hbm>> -> memref<4096x256xf32, #tpu.memory_space<hbm>>
    tpu.wait_indirect_dma semaphore(%arg16 : memref<!tpu.dma_semaphore, #tpu.memory_space<semaphore_mem>>) src(%dma_wait3A_6 : memref<4096x256xf32, #tpu.memory_space<hbm>>) dst(%arg12 : memref<16x256xf32, #tpu.memory_space<vmem>>)
    "tpu.region"() ({
      %run_scoped3A_28 = tpu.sem_alloc : memref<!tpu.dma_semaphore, #tpu.memory_space<semaphore_mem>>
      %dma_start3A_29 = arith.constant 0 : i32
      %dma_start3A_30 = tpu.memref_slice %arg7[%mul3A_2, %dma_start3A_29] : memref<512x256xf32, #tpu.memory_space<hbm>> -> memref<16x256xf32, #tpu.memory_space<hbm>>
      %dma_start3A_31 = arith.constant 0 : i32
      %dma_start3A_32 = tpu.memref_slice %arg7[%mul3A_2, %dma_start3A_31] : memref<512x256xf32, #tpu.memory_space<hbm>> -> memref<16x256xf32, #tpu.memory_space<hbm>>
      tpu.enqueue_dma source(%arg12 : memref<16x256xf32, #tpu.memory_space<vmem>>) target(%dma_start3A_32 : memref<16x256xf32, #tpu.memory_space<hbm>>) target_semaphore(%run_scoped3A_28 : memref<!tpu.dma_semaphore, #tpu.memory_space<semaphore_mem>>)
      %dma_wait3A_33 = arith.constant 0 : i32
      %dma_wait3A_34 = tpu.memref_slice %arg7[%mul3A_2, %dma_wait3A_33] : memref<512x256xf32, #tpu.memory_space<hbm>> -> memref<16x256xf32, #tpu.memory_space<hbm>>
      %dma_wait3A_35 = arith.constant 0 : i32
      %dma_wait3A_36 = tpu.memref_slice %arg7[%mul3A_2, %dma_wait3A_35] : memref<512x256xf32, #tpu.memory_space<hbm>> -> memref<16x256xf32, #tpu.memory_space<hbm>>
      tpu.wait_dma2 semaphore(%run_scoped3A_28 : memref<!tpu.dma_semaphore, #tpu.memory_space<semaphore_mem>>) src(%arg12 : memref<16x256xf32, #tpu.memory_space<vmem>>) dst(%dma_wait3A_36 : memref<16x256xf32, #tpu.memory_space<hbm>>)
      tpu.yield
    }) : () -> ()
    %run_scoped3A_7 = arith.constant 1 : i32
    "tpu.region"() ({
      %run_scoped3A_28 = tpu.sem_alloc : memref<!tpu.dma_semaphore, #tpu.memory_space<semaphore_mem>>
      %dma_start3A_29 = tpu.memref_slice %arg2[%run_scoped3A_7, %mul3A_2] : memref<8x512xi32, #tpu.memory_space<hbm>> -> memref<1x16xi32, #tpu.memory_space<hbm>>
      %dma_start3A_30 = tpu.memref_squeeze %dma_start3A_29 : memref<1x16xi32, #tpu.memory_space<hbm>> -> memref<16xi32, #tpu.memory_space<hbm>>
      %dma_start3A_31 = tpu.memref_slice %arg2[%run_scoped3A_7, %mul3A_2] : memref<8x512xi32, #tpu.memory_space<hbm>> -> memref<1x16xi32, #tpu.memory_space<hbm>>
      %dma_start3A_32 = tpu.memref_squeeze %dma_start3A_31 : memref<1x16xi32, #tpu.memory_space<hbm>> -> memref<16xi32, #tpu.memory_space<hbm>>
      tpu.enqueue_dma source(%dma_start3A_32 : memref<16xi32, #tpu.memory_space<hbm>>) target(%arg11 : memref<16xi32, #tpu.memory_space<vmem>>) target_semaphore(%run_scoped3A_28 : memref<!tpu.dma_semaphore, #tpu.memory_space<semaphore_mem>>)
      %dma_wait3A_33 = tpu.memref_slice %arg2[%run_scoped3A_7, %mul3A_2] : memref<8x512xi32, #tpu.memory_space<hbm>> -> memref<1x16xi32, #tpu.memory_space<hbm>>
      %dma_wait3A_34 = tpu.memref_squeeze %dma_wait3A_33 : memref<1x16xi32, #tpu.memory_space<hbm>> -> memref<16xi32, #tpu.memory_space<hbm>>
      %dma_wait3A_35 = tpu.memref_slice %arg2[%run_scoped3A_7, %mul3A_2] : memref<8x512xi32, #tpu.memory_space<hbm>> -> memref<1x16xi32, #tpu.memory_space<hbm>>
      %dma_wait3A_36 = tpu.memref_squeeze %dma_wait3A_35 : memref<1x16xi32, #tpu.memory_space<hbm>> -> memref<16xi32, #tpu.memory_space<hbm>>
      tpu.wait_dma2 semaphore(%run_scoped3A_28 : memref<!tpu.dma_semaphore, #tpu.memory_space<semaphore_mem>>) src(%dma_wait3A_36 : memref<16xi32, #tpu.memory_space<hbm>>) dst(%arg11 : memref<16xi32, #tpu.memory_space<vmem>>)
      tpu.yield
    }) : () -> ()
    %dma_start3A_8 = arith.constant 0 : i32
    %dma_start3A_9 = arith.constant 0 : i32
    %dma_start3A_10 = tpu.memref_slice %arg4[%dma_start3A_8, %dma_start3A_9] : memref<1024x384xf32, #tpu.memory_space<hbm>> -> memref<1024x384xf32, #tpu.memory_space<hbm>>
    tpu.enqueue_indirect_dma source(%dma_start3A_10 : memref<1024x384xf32, #tpu.memory_space<hbm>>) target(%arg13 : memref<16x384xf32, #tpu.memory_space<vmem>>) offsets(%arg11 : memref<16xi32, #tpu.memory_space<vmem>>) semaphore(%arg16 : memref<!tpu.dma_semaphore, #tpu.memory_space<semaphore_mem>>)
    %dma_wait3A_11 = arith.constant 0 : i32
    %dma_wait3A_12 = arith.constant 0 : i32
    %dma_wait3A_13 = tpu.memref_slice %arg4[%dma_wait3A_11, %dma_wait3A_12] : memref<1024x384xf32, #tpu.memory_space<hbm>> -> memref<1024x384xf32, #tpu.memory_space<hbm>>
    tpu.wait_indirect_dma semaphore(%arg16 : memref<!tpu.dma_semaphore, #tpu.memory_space<semaphore_mem>>) src(%dma_wait3A_13 : memref<1024x384xf32, #tpu.memory_space<hbm>>) dst(%arg13 : memref<16x384xf32, #tpu.memory_space<vmem>>)
    "tpu.region"() ({
      %run_scoped3A_28 = tpu.sem_alloc : memref<!tpu.dma_semaphore, #tpu.memory_space<semaphore_mem>>
      %dma_start3A_29 = arith.constant 0 : i32
      %dma_start3A_30 = tpu.memref_slice %arg8[%mul3A_2, %dma_start3A_29] : memref<512x384xf32, #tpu.memory_space<hbm>> -> memref<16x384xf32, #tpu.memory_space<hbm>>
      %dma_start3A_31 = arith.constant 0 : i32
      %dma_start3A_32 = tpu.memref_slice %arg8[%mul3A_2, %dma_start3A_31] : memref<512x384xf32, #tpu.memory_space<hbm>> -> memref<16x384xf32, #tpu.memory_space<hbm>>
      tpu.enqueue_dma source(%arg13 : memref<16x384xf32, #tpu.memory_space<vmem>>) target(%dma_start3A_32 : memref<16x384xf32, #tpu.memory_space<hbm>>) target_semaphore(%run_scoped3A_28 : memref<!tpu.dma_semaphore, #tpu.memory_space<semaphore_mem>>)
      %dma_wait3A_33 = arith.constant 0 : i32
      %dma_wait3A_34 = tpu.memref_slice %arg8[%mul3A_2, %dma_wait3A_33] : memref<512x384xf32, #tpu.memory_space<hbm>> -> memref<16x384xf32, #tpu.memory_space<hbm>>
      %dma_wait3A_35 = arith.constant 0 : i32
      %dma_wait3A_36 = tpu.memref_slice %arg8[%mul3A_2, %dma_wait3A_35] : memref<512x384xf32, #tpu.memory_space<hbm>> -> memref<16x384xf32, #tpu.memory_space<hbm>>
      tpu.wait_dma2 semaphore(%run_scoped3A_28 : memref<!tpu.dma_semaphore, #tpu.memory_space<semaphore_mem>>) src(%arg13 : memref<16x384xf32, #tpu.memory_space<vmem>>) dst(%dma_wait3A_36 : memref<16x384xf32, #tpu.memory_space<hbm>>)
      tpu.yield
    }) : () -> ()
    %run_scoped3A_14 = arith.constant 2 : i32
    "tpu.region"() ({
      %run_scoped3A_28 = tpu.sem_alloc : memref<!tpu.dma_semaphore, #tpu.memory_space<semaphore_mem>>
      %dma_start3A_29 = tpu.memref_slice %arg2[%run_scoped3A_14, %mul3A_2] : memref<8x512xi32, #tpu.memory_space<hbm>> -> memref<1x16xi32, #tpu.memory_space<hbm>>
      %dma_start3A_30 = tpu.memref_squeeze %dma_start3A_29 : memref<1x16xi32, #tpu.memory_space<hbm>> -> memref<16xi32, #tpu.memory_space<hbm>>
      %dma_start3A_31 = tpu.memref_slice %arg2[%run_scoped3A_14, %mul3A_2] : memref<8x512xi32, #tpu.memory_space<hbm>> -> memref<1x16xi32, #tpu.memory_space<hbm>>
      %dma_start3A_32 = tpu.memref_squeeze %dma_start3A_31 : memref<1x16xi32, #tpu.memory_space<hbm>> -> memref<16xi32, #tpu.memory_space<hbm>>
      tpu.enqueue_dma source(%dma_start3A_32 : memref<16xi32, #tpu.memory_space<hbm>>) target(%arg11 : memref<16xi32, #tpu.memory_space<vmem>>) target_semaphore(%run_scoped3A_28 : memref<!tpu.dma_semaphore, #tpu.memory_space<semaphore_mem>>)
      %dma_wait3A_33 = tpu.memref_slice %arg2[%run_scoped3A_14, %mul3A_2] : memref<8x512xi32, #tpu.memory_space<hbm>> -> memref<1x16xi32, #tpu.memory_space<hbm>>
      %dma_wait3A_34 = tpu.memref_squeeze %dma_wait3A_33 : memref<1x16xi32, #tpu.memory_space<hbm>> -> memref<16xi32, #tpu.memory_space<hbm>>
      %dma_wait3A_35 = tpu.memref_slice %arg2[%run_scoped3A_14, %mul3A_2] : memref<8x512xi32, #tpu.memory_space<hbm>> -> memref<1x16xi32, #tpu.memory_space<hbm>>
      %dma_wait3A_36 = tpu.memref_squeeze %dma_wait3A_35 : memref<1x16xi32, #tpu.memory_space<hbm>> -> memref<16xi32, #tpu.memory_space<hbm>>
      tpu.wait_dma2 semaphore(%run_scoped3A_28 : memref<!tpu.dma_semaphore, #tpu.memory_space<semaphore_mem>>) src(%dma_wait3A_36 : memref<16xi32, #tpu.memory_space<hbm>>) dst(%arg11 : memref<16xi32, #tpu.memory_space<vmem>>)
      tpu.yield
    }) : () -> ()
    %dma_start3A_15 = arith.constant 0 : i32
    %dma_start3A_16 = arith.constant 0 : i32
    %dma_start3A_17 = tpu.memref_slice %arg5[%dma_start3A_15, %dma_start3A_16] : memref<256x640xf32, #tpu.memory_space<hbm>> -> memref<256x640xf32, #tpu.memory_space<hbm>>
    tpu.enqueue_indirect_dma source(%dma_start3A_17 : memref<256x640xf32, #tpu.memory_space<hbm>>) target(%arg14 : memref<16x640xf32, #tpu.memory_space<vmem>>) offsets(%arg11 : memref<16xi32, #tpu.memory_space<vmem>>) semaphore(%arg16 : memref<!tpu.dma_semaphore, #tpu.memory_space<semaphore_mem>>)
    %dma_wait3A_18 = arith.constant 0 : i32
    %dma_wait3A_19 = arith.constant 0 : i32
    %dma_wait3A_20 = tpu.memref_slice %arg5[%dma_wait3A_18, %dma_wait3A_19] : memref<256x640xf32, #tpu.memory_space<hbm>> -> memref<256x640xf32, #tpu.memory_space<hbm>>
    tpu.wait_indirect_dma semaphore(%arg16 : memref<!tpu.dma_semaphore, #tpu.memory_space<semaphore_mem>>) src(%dma_wait3A_20 : memref<256x640xf32, #tpu.memory_space<hbm>>) dst(%arg14 : memref<16x640xf32, #tpu.memory_space<vmem>>)
    "tpu.region"() ({
      %run_scoped3A_28 = tpu.sem_alloc : memref<!tpu.dma_semaphore, #tpu.memory_space<semaphore_mem>>
      %dma_start3A_29 = arith.constant 0 : i32
      %dma_start3A_30 = tpu.memref_slice %arg9[%mul3A_2, %dma_start3A_29] : memref<512x640xf32, #tpu.memory_space<hbm>> -> memref<16x640xf32, #tpu.memory_space<hbm>>
      %dma_start3A_31 = arith.constant 0 : i32
      %dma_start3A_32 = tpu.memref_slice %arg9[%mul3A_2, %dma_start3A_31] : memref<512x640xf32, #tpu.memory_space<hbm>> -> memref<16x640xf32, #tpu.memory_space<hbm>>
      tpu.enqueue_dma source(%arg14 : memref<16x640xf32, #tpu.memory_space<vmem>>) target(%dma_start3A_32 : memref<16x640xf32, #tpu.memory_space<hbm>>) target_semaphore(%run_scoped3A_28 : memref<!tpu.dma_semaphore, #tpu.memory_space<semaphore_mem>>)
      %dma_wait3A_33 = arith.constant 0 : i32
      %dma_wait3A_34 = tpu.memref_slice %arg9[%mul3A_2, %dma_wait3A_33] : memref<512x640xf32, #tpu.memory_space<hbm>> -> memref<16x640xf32, #tpu.memory_space<hbm>>
      %dma_wait3A_35 = arith.constant 0 : i32
      %dma_wait3A_36 = tpu.memref_slice %arg9[%mul3A_2, %dma_wait3A_35] : memref<512x640xf32, #tpu.memory_space<hbm>> -> memref<16x640xf32, #tpu.memory_space<hbm>>
      tpu.wait_dma2 semaphore(%run_scoped3A_28 : memref<!tpu.dma_semaphore, #tpu.memory_space<semaphore_mem>>) src(%arg14 : memref<16x640xf32, #tpu.memory_space<vmem>>) dst(%dma_wait3A_36 : memref<16x640xf32, #tpu.memory_space<hbm>>)
      tpu.yield
    }) : () -> ()
    %run_scoped3A_21 = arith.constant 3 : i32
    "tpu.region"() ({
      %run_scoped3A_28 = tpu.sem_alloc : memref<!tpu.dma_semaphore, #tpu.memory_space<semaphore_mem>>
      %dma_start3A_29 = tpu.memref_slice %arg2[%run_scoped3A_21, %mul3A_2] : memref<8x512xi32, #tpu.memory_space<hbm>> -> memref<1x16xi32, #tpu.memory_space<hbm>>
      %dma_start3A_30 = tpu.memref_squeeze %dma_start3A_29 : memref<1x16xi32, #tpu.memory_space<hbm>> -> memref<16xi32, #tpu.memory_space<hbm>>
      %dma_start3A_31 = tpu.memref_slice %arg2[%run_scoped3A_21, %mul3A_2] : memref<8x512xi32, #tpu.memory_space<hbm>> -> memref<1x16xi32, #tpu.memory_space<hbm>>
      %dma_start3A_32 = tpu.memref_squeeze %dma_start3A_31 : memref<1x16xi32, #tpu.memory_space<hbm>> -> memref<16xi32, #tpu.memory_space<hbm>>
      tpu.enqueue_dma source(%dma_start3A_32 : memref<16xi32, #tpu.memory_space<hbm>>) target(%arg11 : memref<16xi32, #tpu.memory_space<vmem>>) target_semaphore(%run_scoped3A_28 : memref<!tpu.dma_semaphore, #tpu.memory_space<semaphore_mem>>)
      %dma_wait3A_33 = tpu.memref_slice %arg2[%run_scoped3A_21, %mul3A_2] : memref<8x512xi32, #tpu.memory_space<hbm>> -> memref<1x16xi32, #tpu.memory_space<hbm>>
      %dma_wait3A_34 = tpu.memref_squeeze %dma_wait3A_33 : memref<1x16xi32, #tpu.memory_space<hbm>> -> memref<16xi32, #tpu.memory_space<hbm>>
      %dma_wait3A_35 = tpu.memref_slice %arg2[%run_scoped3A_21, %mul3A_2] : memref<8x512xi32, #tpu.memory_space<hbm>> -> memref<1x16xi32, #tpu.memory_space<hbm>>
      %dma_wait3A_36 = tpu.memref_squeeze %dma_wait3A_35 : memref<1x16xi32, #tpu.memory_space<hbm>> -> memref<16xi32, #tpu.memory_space<hbm>>
      tpu.wait_dma2 semaphore(%run_scoped3A_28 : memref<!tpu.dma_semaphore, #tpu.memory_space<semaphore_mem>>) src(%dma_wait3A_36 : memref<16xi32, #tpu.memory_space<hbm>>) dst(%arg11 : memref<16xi32, #tpu.memory_space<vmem>>)
      tpu.yield
    }) : () -> ()
    %dma_start3A_22 = arith.constant 0 : i32
    %dma_start3A_23 = arith.constant 0 : i32
    %dma_start3A_24 = tpu.memref_slice %arg6[%dma_start3A_22, %dma_start3A_23] : memref<64x768xf32, #tpu.memory_space<hbm>> -> memref<64x768xf32, #tpu.memory_space<hbm>>
    tpu.enqueue_indirect_dma source(%dma_start3A_24 : memref<64x768xf32, #tpu.memory_space<hbm>>) target(%arg15 : memref<16x768xf32, #tpu.memory_space<vmem>>) offsets(%arg11 : memref<16xi32, #tpu.memory_space<vmem>>) semaphore(%arg16 : memref<!tpu.dma_semaphore, #tpu.memory_space<semaphore_mem>>)
    %dma_wait3A_25 = arith.constant 0 : i32
    %dma_wait3A_26 = arith.constant 0 : i32
    %dma_wait3A_27 = tpu.memref_slice %arg6[%dma_wait3A_25, %dma_wait3A_26] : memref<64x768xf32, #tpu.memory_space<hbm>> -> memref<64x768xf32, #tpu.memory_space<hbm>>
    tpu.wait_indirect_dma semaphore(%arg16 : memref<!tpu.dma_semaphore, #tpu.memory_space<semaphore_mem>>) src(%dma_wait3A_27 : memref<64x768xf32, #tpu.memory_space<hbm>>) dst(%arg15 : memref<16x768xf32, #tpu.memory_space<vmem>>)
    "tpu.region"() ({
      %run_scoped3A_28 = tpu.sem_alloc : memref<!tpu.dma_semaphore, #tpu.memory_space<semaphore_mem>>
      %dma_start3A_29 = arith.constant 0 : i32
      %dma_start3A_30 = tpu.memref_slice %arg10[%mul3A_2, %dma_start3A_29] : memref<512x768xf32, #tpu.memory_space<hbm>> -> memref<16x768xf32, #tpu.memory_space<hbm>>
      %dma_start3A_31 = arith.constant 0 : i32
      %dma_start3A_32 = tpu.memref_slice %arg10[%mul3A_2, %dma_start3A_31] : memref<512x768xf32, #tpu.memory_space<hbm>> -> memref<16x768xf32, #tpu.memory_space<hbm>>
      tpu.enqueue_dma source(%arg15 : memref<16x768xf32, #tpu.memory_space<vmem>>) target(%dma_start3A_32 : memref<16x768xf32, #tpu.memory_space<hbm>>) target_semaphore(%run_scoped3A_28 : memref<!tpu.dma_semaphore, #tpu.memory_space<semaphore_mem>>)
      %dma_wait3A_33 = arith.constant 0 : i32
      %dma_wait3A_34 = tpu.memref_slice %arg10[%mul3A_2, %dma_wait3A_33] : memref<512x768xf32, #tpu.memory_space<hbm>> -> memref<16x768xf32, #tpu.memory_space<hbm>>
      %dma_wait3A_35 = arith.constant 0 : i32
      %dma_wait3A_36 = tpu.memref_slice %arg10[%mul3A_2, %dma_wait3A_35] : memref<512x768xf32, #tpu.memory_space<hbm>> -> memref<16x768xf32, #tpu.memory_space<hbm>>
      tpu.wait_dma2 semaphore(%run_scoped3A_28 : memref<!tpu.dma_semaphore, #tpu.memory_space<semaphore_mem>>) src(%arg15 : memref<16x768xf32, #tpu.memory_space<vmem>>) dst(%dma_wait3A_36 : memref<16x768xf32, #tpu.memory_space<hbm>>)
      tpu.yield
    }) : () -> ()
    return
  }
}

module attributes {stable_mosaic.version = 14 : i64} {
  func.func @_nms_body(%arg0: memref<8x640xf32, #tpu.memory_space<vmem>>, %arg1: memref<8x640xf32, #tpu.memory_space<vmem>>, %arg2: memref<8x640xf32, #tpu.memory_space<vmem>>, %arg3: memref<8x640xf32, #tpu.memory_space<vmem>>, %arg4: memref<8x640xf32, #tpu.memory_space<vmem>>, %arg5: memref<20480xf32, #tpu.memory_space<smem>>, %arg6: memref<8x128xi32, #tpu.memory_space<vmem>>, %arg7: memref<8x512xi32, #tpu.memory_space<vmem>>, %arg8: memref<128x16xf32, #tpu.memory_space<vmem>>, %arg9: memref<128x8xf32, #tpu.memory_space<vmem>>) attributes {dimension_semantics = [], scalar_prefetch = 0 : i64, scratch_operands = 0 : i64, tpu.core_type = #tpu.core_type<tc>} {
    %get3A = arith.constant 0 : index
    %get3A_0 = arith.constant 0 : index
    %get3A_1 = vector.load %arg0[%get3A, %get3A_0] : memref<8x640xf32, #tpu.memory_space<vmem>>, vector<8x640xf32>
    %gt3A = arith.constant 1.000000e-01 : f32
    %gt3A_2 = vector.broadcast %gt3A : f32 to vector<8x640xf32>
    %gt3A_3 = arith.cmpf ogt, %get3A_1, %gt3A_2 : vector<8x640xf32>
    %get3A_4 = arith.constant 0 : index
    %get3A_5 = arith.constant 0 : index
    %get3A_6 = vector.load %arg0[%get3A_4, %get3A_5] : memref<8x640xf32, #tpu.memory_space<vmem>>, vector<8x640xf32>
    %jit3A = arith.constant -1.000000e+00 : f32
    %broadcast_in_dim3A = vector.broadcast %jit3A : f32 to vector<8x640xf32>
    %select_n3A = arith.select %gt3A_3, %get3A_6, %broadcast_in_dim3A : vector<8x640xi1>, vector<8x640xf32>
    %iota3A = tpu.iota {dimensions = array<i32: 1>} : vector<1x128xi32>
    %broadcast_in_dim3A_7 = arith.constant 0.000000e+00 : f32
    %broadcast_in_dim3A_8 = vector.broadcast %broadcast_in_dim3A_7 : f32 to vector<1x128xf32>
    %broadcast_in_dim3A_9 = arith.constant -1 : i32
    %broadcast_in_dim3A_10 = vector.broadcast %broadcast_in_dim3A_9 : i32 to vector<1x128xi32>
    %scan3A = arith.constant 0 : i32
    %scan3A_11 = arith.constant 100 : i32
    %scan3A_12 = arith.addi %scan3A, %scan3A_11 : i32
    %scan3A_13 = arith.constant 1 : i32
    %scan3A_14:7 = scf.for %scan3A_337 = %scan3A to %scan3A_12 step %scan3A_13 iter_args(%scan3A_338 = %select_n3A, %scan3A_339 = %broadcast_in_dim3A_10, %scan3A_340 = %broadcast_in_dim3A_8, %scan3A_341 = %broadcast_in_dim3A_8, %scan3A_342 = %broadcast_in_dim3A_8, %scan3A_343 = %broadcast_in_dim3A_8, %scan3A_344 = %broadcast_in_dim3A_8) -> (vector<8x640xf32>, vector<1x128xi32>, vector<1x128xf32>, vector<1x128xf32>, vector<1x128xf32>, vector<1x128xf32>, vector<1x128xf32>)  : i32 {
      %get3A_345 = arith.constant 0 : index
      %get3A_346 = arith.constant 0 : index
      %get3A_347 = vector.load %arg1[%get3A_345, %get3A_346] : memref<8x640xf32, #tpu.memory_space<vmem>>, vector<8x640xf32>
      %get3A_348 = arith.constant 0 : index
      %get3A_349 = arith.constant 0 : index
      %get3A_350 = vector.load %arg2[%get3A_348, %get3A_349] : memref<8x640xf32, #tpu.memory_space<vmem>>, vector<8x640xf32>
      %get3A_351 = arith.constant 0 : index
      %get3A_352 = arith.constant 0 : index
      %get3A_353 = vector.load %arg3[%get3A_351, %get3A_352] : memref<8x640xf32, #tpu.memory_space<vmem>>, vector<8x640xf32>
      %get3A_354 = arith.constant 0 : index
      %get3A_355 = arith.constant 0 : index
      %get3A_356 = vector.load %arg4[%get3A_354, %get3A_355] : memref<8x640xf32, #tpu.memory_space<vmem>>, vector<8x640xf32>
      %iota3A_357 = tpu.iota {dimensions = array<i32: 0>} : vector<8x640xi32>
      %iota3A_358 = tpu.iota {dimensions = array<i32: 1>} : vector<8x640xi32>
      %mul3A_359 = arith.constant 640 : i32
      %mul3A_360 = vector.broadcast %mul3A_359 : i32 to vector<8x640xi32>
      %mul3A_361 = arith.muli %iota3A_357, %mul3A_360 : vector<8x640xi32>
      %add3A_362 = arith.addi %mul3A_361, %iota3A_358 : vector<8x640xi32>
      %reduce_max3A = arith.constant dense<0xFF800000> : vector<8xf32>
      %reduce_max3A_363 = vector.multi_reduction <maximumf>, %scan3A_338, %reduce_max3A [1] : vector<8x640xf32> to vector<8xf32>
      %broadcast_in_dim3A_364 = vector.shape_cast %reduce_max3A_363 : vector<8xf32> to vector<8x1xf32>
      %argmax3A = tpu.reduce_index %scan3A_338 {axis = 1 : i32, kind = #tpu.reduction_kind<arg_max>} : vector<8x640xf32> -> vector<8xi32>
      %broadcast_in_dim3A_365 = vector.shape_cast %argmax3A : vector<8xi32> to vector<8x1xi32>
      %iota3A_366 = tpu.iota {dimensions = array<i32: 0>} : vector<8x1xi32>
      %reduce_max3A_367 = arith.constant dense<0xFF800000> : vector<1xf32>
      %reduce_max3A_368 = vector.multi_reduction <maximumf>, %broadcast_in_dim3A_364, %reduce_max3A_367 [0] : vector<8x1xf32> to vector<1xf32>
      %broadcast_in_dim3A_369 = vector.shape_cast %reduce_max3A_368 : vector<1xf32> to vector<1x1xf32>
      %eq3A = vector.broadcast %broadcast_in_dim3A_369 : vector<1x1xf32> to vector<8x1xf32>
      %eq3A_370 = arith.cmpf oeq, %broadcast_in_dim3A_364, %eq3A : vector<8x1xf32>
      %jit3A_371 = arith.constant 8 : i32
      %broadcast_in_dim3A_372 = vector.broadcast %jit3A_371 : i32 to vector<8x1xi32>
      %select_n3A_373 = arith.select %eq3A_370, %iota3A_366, %broadcast_in_dim3A_372 : vector<8x1xi1>, vector<8x1xi32>
      %reduce_min3A = arith.constant dense<2147483647> : vector<1xi32>
      %reduce_min3A_374 = vector.multi_reduction <minsi>, %select_n3A_373, %reduce_min3A [0] : vector<8x1xi32> to vector<1xi32>
      %broadcast_in_dim3A_375 = vector.shape_cast %reduce_min3A_374 : vector<1xi32> to vector<1x1xi32>
      %eq3A_376 = vector.broadcast %broadcast_in_dim3A_375 : vector<1x1xi32> to vector<8x1xi32>
      %eq3A_377 = arith.cmpi eq, %iota3A_366, %eq3A_376 : vector<8x1xi32>
      %jit3A_378 = arith.constant 640 : i32
      %broadcast_in_dim3A_379 = vector.broadcast %jit3A_378 : i32 to vector<8x1xi32>
      %select_n3A_380 = arith.select %eq3A_377, %broadcast_in_dim3A_365, %broadcast_in_dim3A_379 : vector<8x1xi1>, vector<8x1xi32>
      %reduce_min3A_381 = arith.constant dense<2147483647> : vector<1xi32>
      %reduce_min3A_382 = vector.multi_reduction <minsi>, %select_n3A_380, %reduce_min3A_381 [0] : vector<8x1xi32> to vector<1xi32>
      %broadcast_in_dim3A_383 = vector.shape_cast %reduce_min3A_382 : vector<1xi32> to vector<1x1xi32>
      %mul3A_384 = arith.constant 640 : i32
      %mul3A_385 = vector.broadcast %mul3A_384 : i32 to vector<1x1xi32>
      %mul3A_386 = arith.muli %broadcast_in_dim3A_375, %mul3A_385 : vector<1x1xi32>
      %add3A_387 = arith.addi %mul3A_386, %broadcast_in_dim3A_383 : vector<1x1xi32>
      %squeeze3A = vector.extract %add3A_387[0, 0] : i32 from vector<1x1xi32>
      %mul3A_388 = arith.constant 4 : i32
      %mul3A_389 = arith.muli %squeeze3A, %mul3A_388 : i32
      %get3A_390 = arith.index_cast %mul3A_389 : i32 to index
      %get3A_391 = memref.load %arg5[%get3A_390] : memref<20480xf32, #tpu.memory_space<smem>>
      %add3A_392 = arith.constant 1 : i32
      %add3A_393 = arith.addi %mul3A_389, %add3A_392 : i32
      %get3A_394 = arith.index_cast %add3A_393 : i32 to index
      %get3A_395 = memref.load %arg5[%get3A_394] : memref<20480xf32, #tpu.memory_space<smem>>
      %add3A_396 = arith.constant 2 : i32
      %add3A_397 = arith.addi %mul3A_389, %add3A_396 : i32
      %get3A_398 = arith.index_cast %add3A_397 : i32 to index
      %get3A_399 = memref.load %arg5[%get3A_398] : memref<20480xf32, #tpu.memory_space<smem>>
      %add3A_400 = arith.constant 3 : i32
      %add3A_401 = arith.addi %mul3A_389, %add3A_400 : i32
      %get3A_402 = arith.index_cast %add3A_401 : i32 to index
      %get3A_403 = memref.load %arg5[%get3A_402] : memref<20480xf32, #tpu.memory_space<smem>>
      %sub3A_404 = arith.subf %get3A_399, %get3A_391 : f32
      %sub3A_405 = arith.subf %get3A_403, %get3A_395 : f32
      %mul3A_406 = arith.mulf %sub3A_404, %sub3A_405 : f32
      %sub3A_407 = arith.subf %get3A_353, %get3A_347 : vector<8x640xf32>
      %sub3A_408 = arith.subf %get3A_356, %get3A_350 : vector<8x640xf32>
      %mul3A_409 = arith.mulf %sub3A_407, %sub3A_408 : vector<8x640xf32>
      %max3A_410 = vector.broadcast %get3A_391 : f32 to vector<8x640xf32>
      %max3A_411 = arith.maximumf %max3A_410, %get3A_347 : vector<8x640xf32>
      %max3A_412 = vector.broadcast %get3A_395 : f32 to vector<8x640xf32>
      %max3A_413 = arith.maximumf %max3A_412, %get3A_350 : vector<8x640xf32>
      %min3A_414 = vector.broadcast %get3A_399 : f32 to vector<8x640xf32>
      %min3A_415 = arith.minimumf %min3A_414, %get3A_353 : vector<8x640xf32>
      %min3A_416 = vector.broadcast %get3A_403 : f32 to vector<8x640xf32>
      %min3A_417 = arith.minimumf %min3A_416, %get3A_356 : vector<8x640xf32>
      %sub3A_418 = arith.subf %min3A_415, %max3A_411 : vector<8x640xf32>
      %max3A_419 = arith.constant 0.000000e+00 : f32
      %max3A_420 = vector.broadcast %max3A_419 : f32 to vector<8x640xf32>
      %max3A_421 = arith.maximumf %sub3A_418, %max3A_420 : vector<8x640xf32>
      %sub3A_422 = arith.subf %min3A_417, %max3A_413 : vector<8x640xf32>
      %max3A_423 = arith.constant 0.000000e+00 : f32
      %max3A_424 = vector.broadcast %max3A_423 : f32 to vector<8x640xf32>
      %max3A_425 = arith.maximumf %sub3A_422, %max3A_424 : vector<8x640xf32>
      %mul3A_426 = arith.mulf %max3A_421, %max3A_425 : vector<8x640xf32>
      %add3A_427 = vector.broadcast %mul3A_406 : f32 to vector<8x640xf32>
      %add3A_428 = arith.addf %add3A_427, %mul3A_409 : vector<8x640xf32>
      %sub3A_429 = arith.subf %add3A_428, %mul3A_426 : vector<8x640xf32>
      %add3A_430 = arith.constant 9.99999971E-10 : f32
      %add3A_431 = vector.broadcast %add3A_430 : f32 to vector<8x640xf32>
      %add3A_432 = arith.addf %sub3A_429, %add3A_431 : vector<8x640xf32>
      %div3A = arith.divf %mul3A_426, %add3A_432 : vector<8x640xf32>
      %gt3A_433 = arith.constant 0.000000e+00 : f32
      %gt3A_434 = vector.broadcast %gt3A_433 : f32 to vector<1x1xf32>
      %gt3A_435 = arith.cmpf ogt, %broadcast_in_dim3A_369, %gt3A_434 : vector<1x1xf32>
      %gt3A_436 = arith.constant 6.000000e-01 : f32
      %gt3A_437 = vector.broadcast %gt3A_436 : f32 to vector<8x640xf32>
      %gt3A_438 = arith.cmpf ogt, %div3A, %gt3A_437 : vector<8x640xf32>
      %eq3A_439 = vector.broadcast %squeeze3A : i32 to vector<8x640xi32>
      %eq3A_440 = arith.cmpi eq, %add3A_362, %eq3A_439 : vector<8x640xi32>
      %or3A = arith.ori %gt3A_438, %eq3A_440 : vector<8x640xi1>
      %and3A = vector.broadcast %gt3A_435 : vector<1x1xi1> to vector<8x640xi1>
      %and3A_441 = arith.andi %or3A, %and3A : vector<8x640xi1>
      %jit3A_442 = arith.constant -1.000000e+00 : f32
      %broadcast_in_dim3A_443 = vector.broadcast %jit3A_442 : f32 to vector<8x640xf32>
      %select_n3A_444 = arith.select %and3A_441, %broadcast_in_dim3A_443, %scan3A_338 : vector<8x640xi1>, vector<8x640xf32>
      %jit3A_445 = arith.constant -1 : i32
      %broadcast_in_dim3A_446 = vector.broadcast %squeeze3A : i32 to vector<1x1xi32>
      %broadcast_in_dim3A_447 = vector.broadcast %jit3A_445 : i32 to vector<1x1xi32>
      %select_n3A_448 = arith.select %gt3A_435, %broadcast_in_dim3A_446, %broadcast_in_dim3A_447 : vector<1x1xi1>, vector<1x1xi32>
      %eq3A_449 = vector.broadcast %scan3A_337 : i32 to vector<1x128xi32>
      %eq3A_450 = arith.cmpi eq, %iota3A, %eq3A_449 : vector<1x128xi32>
      %broadcast_in_dim3A_451 = vector.shape_cast %select_n3A_448 : vector<1x1xi32> to vector<1x1xi32>
      %broadcast_in_dim3A_452 = vector.broadcast %broadcast_in_dim3A_451 : vector<1x1xi32> to vector<1x128xi32>
      %select_n3A_453 = arith.select %eq3A_450, %broadcast_in_dim3A_452, %scan3A_339 : vector<1x128xi1>, vector<1x128xi32>
      %broadcast_in_dim3A_454 = vector.broadcast %get3A_391 : f32 to vector<1x128xf32>
      %select_n3A_455 = arith.select %eq3A_450, %broadcast_in_dim3A_454, %scan3A_340 : vector<1x128xi1>, vector<1x128xf32>
      %broadcast_in_dim3A_456 = vector.broadcast %get3A_395 : f32 to vector<1x128xf32>
      %select_n3A_457 = arith.select %eq3A_450, %broadcast_in_dim3A_456, %scan3A_341 : vector<1x128xi1>, vector<1x128xf32>
      %broadcast_in_dim3A_458 = vector.broadcast %get3A_399 : f32 to vector<1x128xf32>
      %select_n3A_459 = arith.select %eq3A_450, %broadcast_in_dim3A_458, %scan3A_342 : vector<1x128xi1>, vector<1x128xf32>
      %broadcast_in_dim3A_460 = vector.broadcast %get3A_403 : f32 to vector<1x128xf32>
      %select_n3A_461 = arith.select %eq3A_450, %broadcast_in_dim3A_460, %scan3A_343 : vector<1x128xi1>, vector<1x128xf32>
      %and3A_462 = vector.broadcast %gt3A_435 : vector<1x1xi1> to vector<1x128xi1>
      %and3A_463 = arith.andi %eq3A_450, %and3A_462 : vector<1x128xi1>
      %jit3A_464 = arith.constant 1.000000e+00 : f32
      %broadcast_in_dim3A_465 = vector.broadcast %jit3A_464 : f32 to vector<1x128xf32>
      %select_n3A_466 = arith.select %and3A_463, %broadcast_in_dim3A_465, %scan3A_344 : vector<1x128xi1>, vector<1x128xf32>
      scf.yield %select_n3A_444, %select_n3A_453, %select_n3A_455, %select_n3A_457, %select_n3A_459, %select_n3A_461, %select_n3A_466 : vector<8x640xf32>, vector<1x128xi32>, vector<1x128xf32>, vector<1x128xf32>, vector<1x128xf32>, vector<1x128xf32>, vector<1x128xf32>
    }
    %scan3A_15 = arith.constant 100 : i32
    %broadcast_in_dim3A_16 = vector.shape_cast %scan3A_14#1 : vector<1x128xi32> to vector<1x128xi32>
    %broadcast_in_dim3A_17 = vector.broadcast %broadcast_in_dim3A_16 : vector<1x128xi32> to vector<8x128xi32>
    %swap3A = arith.constant 0 : index
    %swap3A_18 = arith.constant 0 : index
    %swap3A_19 = vector.load %arg6[%swap3A, %swap3A_18] : memref<8x128xi32, #tpu.memory_space<vmem>>, vector<8x128xi32>
    tpu.vector_store %arg6[%swap3A, %swap3A_18], %broadcast_in_dim3A_17 {strides = array<i32>} : memref<8x128xi32, #tpu.memory_space<vmem>>, vector<8x128xi32>,
    %add3A = arith.addf %scan3A_14#2, %scan3A_14#4 : vector<1x128xf32>
    %mul3A = arith.constant 5.000000e-01 : f32
    %mul3A_20 = vector.broadcast %mul3A : f32 to vector<1x128xf32>
    %mul3A_21 = arith.mulf %add3A, %mul3A_20 : vector<1x128xf32>
    %add3A_22 = arith.addf %scan3A_14#3, %scan3A_14#5 : vector<1x128xf32>
    %mul3A_23 = arith.constant 5.000000e-01 : f32
    %mul3A_24 = vector.broadcast %mul3A_23 : f32 to vector<1x128xf32>
    %mul3A_25 = arith.mulf %add3A_22, %mul3A_24 : vector<1x128xf32>
    %mul3A_26 = arith.constant 1.250000e-01 : f32
    %mul3A_27 = vector.broadcast %mul3A_26 : f32 to vector<1x128xf32>
    %mul3A_28 = arith.mulf %mul3A_21, %mul3A_27 : vector<1x128xf32>
    %sub3A = arith.constant 5.000000e-01 : f32
    %sub3A_29 = vector.broadcast %sub3A : f32 to vector<1x128xf32>
    %sub3A_30 = arith.subf %mul3A_28, %sub3A_29 : vector<1x128xf32>
    %jit3A_31 = arith.constant 0.000000e+00 : f32
    %jit3A_32 = arith.constant 6.300000e+01 : f32
    %max3A = vector.broadcast %jit3A_31 : f32 to vector<1x128xf32>
    %max3A_33 = arith.maximumf %max3A, %sub3A_30 : vector<1x128xf32>
    %min3A = vector.broadcast %jit3A_32 : f32 to vector<1x128xf32>
    %min3A_34 = arith.minimumf %min3A, %max3A_33 : vector<1x128xf32>
    %mul3A_35 = arith.constant 1.250000e-01 : f32
    %mul3A_36 = vector.broadcast %mul3A_35 : f32 to vector<1x128xf32>
    %mul3A_37 = arith.mulf %mul3A_25, %mul3A_36 : vector<1x128xf32>
    %sub3A_38 = arith.constant 5.000000e-01 : f32
    %sub3A_39 = vector.broadcast %sub3A_38 : f32 to vector<1x128xf32>
    %sub3A_40 = arith.subf %mul3A_37, %sub3A_39 : vector<1x128xf32>
    %jit3A_41 = arith.constant 0.000000e+00 : f32
    %jit3A_42 = arith.constant 6.300000e+01 : f32
    %max3A_43 = vector.broadcast %jit3A_41 : f32 to vector<1x128xf32>
    %max3A_44 = arith.maximumf %max3A_43, %sub3A_40 : vector<1x128xf32>
    %min3A_45 = vector.broadcast %jit3A_42 : f32 to vector<1x128xf32>
    %min3A_46 = arith.minimumf %min3A_45, %max3A_44 : vector<1x128xf32>
    %floor3A = math.floor %min3A_34 : vector<1x128xf32>
    %floor3A_47 = math.floor %min3A_46 : vector<1x128xf32>
    %convert_element_type3A = arith.fptosi %floor3A : vector<1x128xf32> to vector<1x128xi32>
    %convert_element_type3A_48 = arith.fptosi %floor3A_47 : vector<1x128xf32> to vector<1x128xi32>
    %add3A_49 = arith.constant 1 : i32
    %add3A_50 = vector.broadcast %add3A_49 : i32 to vector<1x128xi32>
    %add3A_51 = arith.addi %convert_element_type3A, %add3A_50 : vector<1x128xi32>
    %min3A_52 = arith.constant 63 : i32
    %min3A_53 = vector.broadcast %min3A_52 : i32 to vector<1x128xi32>
    %min3A_54 = arith.minsi %add3A_51, %min3A_53 : vector<1x128xi32>
    %add3A_55 = arith.constant 1 : i32
    %add3A_56 = vector.broadcast %add3A_55 : i32 to vector<1x128xi32>
    %add3A_57 = arith.addi %convert_element_type3A_48, %add3A_56 : vector<1x128xi32>
    %min3A_58 = arith.constant 63 : i32
    %min3A_59 = vector.broadcast %min3A_58 : i32 to vector<1x128xi32>
    %min3A_60 = arith.minsi %add3A_57, %min3A_59 : vector<1x128xi32>
    %sub3A_61 = arith.subf %min3A_34, %floor3A : vector<1x128xf32>
    %sub3A_62 = arith.subf %min3A_46, %floor3A_47 : vector<1x128xf32>
    %mul3A_63 = arith.constant 64 : i32
    %mul3A_64 = vector.broadcast %mul3A_63 : i32 to vector<1x128xi32>
    %mul3A_65 = arith.muli %convert_element_type3A_48, %mul3A_64 : vector<1x128xi32>
    %add3A_66 = arith.addi %mul3A_65, %convert_element_type3A : vector<1x128xi32>
    %mul3A_67 = arith.constant 64 : i32
    %mul3A_68 = vector.broadcast %mul3A_67 : i32 to vector<1x128xi32>
    %mul3A_69 = arith.muli %convert_element_type3A_48, %mul3A_68 : vector<1x128xi32>
    %add3A_70 = arith.addi %mul3A_69, %min3A_54 : vector<1x128xi32>
    %mul3A_71 = arith.constant 64 : i32
    %mul3A_72 = vector.broadcast %mul3A_71 : i32 to vector<1x128xi32>
    %mul3A_73 = arith.muli %min3A_60, %mul3A_72 : vector<1x128xi32>
    %add3A_74 = arith.addi %mul3A_73, %convert_element_type3A : vector<1x128xi32>
    %mul3A_75 = arith.constant 64 : i32
    %mul3A_76 = vector.broadcast %mul3A_75 : i32 to vector<1x128xi32>
    %mul3A_77 = arith.muli %min3A_60, %mul3A_76 : vector<1x128xi32>
    %add3A_78 = arith.addi %mul3A_77, %min3A_54 : vector<1x128xi32>
    %concatenate3A = tpu.concatenate %add3A_66, %add3A_70, %add3A_74, %add3A_78 in 1 : vector<1x128xi32>, vector<1x128xi32>, vector<1x128xi32>, vector<1x128xi32> -> vector<1x512xi32>
    %sub3A_79 = arith.constant 1.000000e+00 : f32
    %sub3A_80 = vector.broadcast %sub3A_79 : f32 to vector<1x128xf32>
    %sub3A_81 = arith.subf %sub3A_80, %sub3A_61 : vector<1x128xf32>
    %sub3A_82 = arith.constant 1.000000e+00 : f32
    %sub3A_83 = vector.broadcast %sub3A_82 : f32 to vector<1x128xf32>
    %sub3A_84 = arith.subf %sub3A_83, %sub3A_62 : vector<1x128xf32>
    %mul3A_85 = arith.mulf %sub3A_81, %sub3A_84 : vector<1x128xf32>
    %sub3A_86 = arith.constant 1.000000e+00 : f32
    %sub3A_87 = vector.broadcast %sub3A_86 : f32 to vector<1x128xf32>
    %sub3A_88 = arith.subf %sub3A_87, %sub3A_62 : vector<1x128xf32>
    %mul3A_89 = arith.mulf %sub3A_61, %sub3A_88 : vector<1x128xf32>
    %sub3A_90 = arith.constant 1.000000e+00 : f32
    %sub3A_91 = vector.broadcast %sub3A_90 : f32 to vector<1x128xf32>
    %sub3A_92 = arith.subf %sub3A_91, %sub3A_61 : vector<1x128xf32>
    %mul3A_93 = arith.mulf %sub3A_92, %sub3A_62 : vector<1x128xf32>
    %mul3A_94 = arith.mulf %sub3A_61, %sub3A_62 : vector<1x128xf32>
    %mul3A_95 = arith.constant 6.250000e-02 : f32
    %mul3A_96 = vector.broadcast %mul3A_95 : f32 to vector<1x128xf32>
    %mul3A_97 = arith.mulf %mul3A_21, %mul3A_96 : vector<1x128xf32>
    %sub3A_98 = arith.constant 5.000000e-01 : f32
    %sub3A_99 = vector.broadcast %sub3A_98 : f32 to vector<1x128xf32>
    %sub3A_100 = arith.subf %mul3A_97, %sub3A_99 : vector<1x128xf32>
    %jit3A_101 = arith.constant 0.000000e+00 : f32
    %jit3A_102 = arith.constant 3.100000e+01 : f32
    %max3A_103 = vector.broadcast %jit3A_101 : f32 to vector<1x128xf32>
    %max3A_104 = arith.maximumf %max3A_103, %sub3A_100 : vector<1x128xf32>
    %min3A_105 = vector.broadcast %jit3A_102 : f32 to vector<1x128xf32>
    %min3A_106 = arith.minimumf %min3A_105, %max3A_104 : vector<1x128xf32>
    %mul3A_107 = arith.constant 6.250000e-02 : f32
    %mul3A_108 = vector.broadcast %mul3A_107 : f32 to vector<1x128xf32>
    %mul3A_109 = arith.mulf %mul3A_25, %mul3A_108 : vector<1x128xf32>
    %sub3A_110 = arith.constant 5.000000e-01 : f32
    %sub3A_111 = vector.broadcast %sub3A_110 : f32 to vector<1x128xf32>
    %sub3A_112 = arith.subf %mul3A_109, %sub3A_111 : vector<1x128xf32>
    %jit3A_113 = arith.constant 0.000000e+00 : f32
    %jit3A_114 = arith.constant 3.100000e+01 : f32
    %max3A_115 = vector.broadcast %jit3A_113 : f32 to vector<1x128xf32>
    %max3A_116 = arith.maximumf %max3A_115, %sub3A_112 : vector<1x128xf32>
    %min3A_117 = vector.broadcast %jit3A_114 : f32 to vector<1x128xf32>
    %min3A_118 = arith.minimumf %min3A_117, %max3A_116 : vector<1x128xf32>
    %floor3A_119 = math.floor %min3A_106 : vector<1x128xf32>
    %floor3A_120 = math.floor %min3A_118 : vector<1x128xf32>
    %convert_element_type3A_121 = arith.fptosi %floor3A_119 : vector<1x128xf32> to vector<1x128xi32>
    %convert_element_type3A_122 = arith.fptosi %floor3A_120 : vector<1x128xf32> to vector<1x128xi32>
    %add3A_123 = arith.constant 1 : i32
    %add3A_124 = vector.broadcast %add3A_123 : i32 to vector<1x128xi32>
    %add3A_125 = arith.addi %convert_element_type3A_121, %add3A_124 : vector<1x128xi32>
    %min3A_126 = arith.constant 31 : i32
    %min3A_127 = vector.broadcast %min3A_126 : i32 to vector<1x128xi32>
    %min3A_128 = arith.minsi %add3A_125, %min3A_127 : vector<1x128xi32>
    %add3A_129 = arith.constant 1 : i32
    %add3A_130 = vector.broadcast %add3A_129 : i32 to vector<1x128xi32>
    %add3A_131 = arith.addi %convert_element_type3A_122, %add3A_130 : vector<1x128xi32>
    %min3A_132 = arith.constant 31 : i32
    %min3A_133 = vector.broadcast %min3A_132 : i32 to vector<1x128xi32>
    %min3A_134 = arith.minsi %add3A_131, %min3A_133 : vector<1x128xi32>
    %sub3A_135 = arith.subf %min3A_106, %floor3A_119 : vector<1x128xf32>
    %sub3A_136 = arith.subf %min3A_118, %floor3A_120 : vector<1x128xf32>
    %mul3A_137 = arith.constant 32 : i32
    %mul3A_138 = vector.broadcast %mul3A_137 : i32 to vector<1x128xi32>
    %mul3A_139 = arith.muli %convert_element_type3A_122, %mul3A_138 : vector<1x128xi32>
    %add3A_140 = arith.addi %mul3A_139, %convert_element_type3A_121 : vector<1x128xi32>
    %mul3A_141 = arith.constant 32 : i32
    %mul3A_142 = vector.broadcast %mul3A_141 : i32 to vector<1x128xi32>
    %mul3A_143 = arith.muli %convert_element_type3A_122, %mul3A_142 : vector<1x128xi32>
    %add3A_144 = arith.addi %mul3A_143, %min3A_128 : vector<1x128xi32>
    %mul3A_145 = arith.constant 32 : i32
    %mul3A_146 = vector.broadcast %mul3A_145 : i32 to vector<1x128xi32>
    %mul3A_147 = arith.muli %min3A_134, %mul3A_146 : vector<1x128xi32>
    %add3A_148 = arith.addi %mul3A_147, %convert_element_type3A_121 : vector<1x128xi32>
    %mul3A_149 = arith.constant 32 : i32
    %mul3A_150 = vector.broadcast %mul3A_149 : i32 to vector<1x128xi32>
    %mul3A_151 = arith.muli %min3A_134, %mul3A_150 : vector<1x128xi32>
    %add3A_152 = arith.addi %mul3A_151, %min3A_128 : vector<1x128xi32>
    %concatenate3A_153 = tpu.concatenate %add3A_140, %add3A_144, %add3A_148, %add3A_152 in 1 : vector<1x128xi32>, vector<1x128xi32>, vector<1x128xi32>, vector<1x128xi32> -> vector<1x512xi32>
    %sub3A_154 = arith.constant 1.000000e+00 : f32
    %sub3A_155 = vector.broadcast %sub3A_154 : f32 to vector<1x128xf32>
    %sub3A_156 = arith.subf %sub3A_155, %sub3A_135 : vector<1x128xf32>
    %sub3A_157 = arith.constant 1.000000e+00 : f32
    %sub3A_158 = vector.broadcast %sub3A_157 : f32 to vector<1x128xf32>
    %sub3A_159 = arith.subf %sub3A_158, %sub3A_136 : vector<1x128xf32>
    %mul3A_160 = arith.mulf %sub3A_156, %sub3A_159 : vector<1x128xf32>
    %sub3A_161 = arith.constant 1.000000e+00 : f32
    %sub3A_162 = vector.broadcast %sub3A_161 : f32 to vector<1x128xf32>
    %sub3A_163 = arith.subf %sub3A_162, %sub3A_136 : vector<1x128xf32>
    %mul3A_164 = arith.mulf %sub3A_135, %sub3A_163 : vector<1x128xf32>
    %sub3A_165 = arith.constant 1.000000e+00 : f32
    %sub3A_166 = vector.broadcast %sub3A_165 : f32 to vector<1x128xf32>
    %sub3A_167 = arith.subf %sub3A_166, %sub3A_135 : vector<1x128xf32>
    %mul3A_168 = arith.mulf %sub3A_167, %sub3A_136 : vector<1x128xf32>
    %mul3A_169 = arith.mulf %sub3A_135, %sub3A_136 : vector<1x128xf32>
    %mul3A_170 = arith.constant 3.125000e-02 : f32
    %mul3A_171 = vector.broadcast %mul3A_170 : f32 to vector<1x128xf32>
    %mul3A_172 = arith.mulf %mul3A_21, %mul3A_171 : vector<1x128xf32>
    %sub3A_173 = arith.constant 5.000000e-01 : f32
    %sub3A_174 = vector.broadcast %sub3A_173 : f32 to vector<1x128xf32>
    %sub3A_175 = arith.subf %mul3A_172, %sub3A_174 : vector<1x128xf32>
    %jit3A_176 = arith.constant 0.000000e+00 : f32
    %jit3A_177 = arith.constant 1.500000e+01 : f32
    %max3A_178 = vector.broadcast %jit3A_176 : f32 to vector<1x128xf32>
    %max3A_179 = arith.maximumf %max3A_178, %sub3A_175 : vector<1x128xf32>
    %min3A_180 = vector.broadcast %jit3A_177 : f32 to vector<1x128xf32>
    %min3A_181 = arith.minimumf %min3A_180, %max3A_179 : vector<1x128xf32>
    %mul3A_182 = arith.constant 3.125000e-02 : f32
    %mul3A_183 = vector.broadcast %mul3A_182 : f32 to vector<1x128xf32>
    %mul3A_184 = arith.mulf %mul3A_25, %mul3A_183 : vector<1x128xf32>
    %sub3A_185 = arith.constant 5.000000e-01 : f32
    %sub3A_186 = vector.broadcast %sub3A_185 : f32 to vector<1x128xf32>
    %sub3A_187 = arith.subf %mul3A_184, %sub3A_186 : vector<1x128xf32>
    %jit3A_188 = arith.constant 0.000000e+00 : f32
    %jit3A_189 = arith.constant 1.500000e+01 : f32
    %max3A_190 = vector.broadcast %jit3A_188 : f32 to vector<1x128xf32>
    %max3A_191 = arith.maximumf %max3A_190, %sub3A_187 : vector<1x128xf32>
    %min3A_192 = vector.broadcast %jit3A_189 : f32 to vector<1x128xf32>
    %min3A_193 = arith.minimumf %min3A_192, %max3A_191 : vector<1x128xf32>
    %floor3A_194 = math.floor %min3A_181 : vector<1x128xf32>
    %floor3A_195 = math.floor %min3A_193 : vector<1x128xf32>
    %convert_element_type3A_196 = arith.fptosi %floor3A_194 : vector<1x128xf32> to vector<1x128xi32>
    %convert_element_type3A_197 = arith.fptosi %floor3A_195 : vector<1x128xf32> to vector<1x128xi32>
    %add3A_198 = arith.constant 1 : i32
    %add3A_199 = vector.broadcast %add3A_198 : i32 to vector<1x128xi32>
    %add3A_200 = arith.addi %convert_element_type3A_196, %add3A_199 : vector<1x128xi32>
    %min3A_201 = arith.constant 15 : i32
    %min3A_202 = vector.broadcast %min3A_201 : i32 to vector<1x128xi32>
    %min3A_203 = arith.minsi %add3A_200, %min3A_202 : vector<1x128xi32>
    %add3A_204 = arith.constant 1 : i32
    %add3A_205 = vector.broadcast %add3A_204 : i32 to vector<1x128xi32>
    %add3A_206 = arith.addi %convert_element_type3A_197, %add3A_205 : vector<1x128xi32>
    %min3A_207 = arith.constant 15 : i32
    %min3A_208 = vector.broadcast %min3A_207 : i32 to vector<1x128xi32>
    %min3A_209 = arith.minsi %add3A_206, %min3A_208 : vector<1x128xi32>
    %sub3A_210 = arith.subf %min3A_181, %floor3A_194 : vector<1x128xf32>
    %sub3A_211 = arith.subf %min3A_193, %floor3A_195 : vector<1x128xf32>
    %mul3A_212 = arith.constant 16 : i32
    %mul3A_213 = vector.broadcast %mul3A_212 : i32 to vector<1x128xi32>
    %mul3A_214 = arith.muli %convert_element_type3A_197, %mul3A_213 : vector<1x128xi32>
    %add3A_215 = arith.addi %mul3A_214, %convert_element_type3A_196 : vector<1x128xi32>
    %mul3A_216 = arith.constant 16 : i32
    %mul3A_217 = vector.broadcast %mul3A_216 : i32 to vector<1x128xi32>
    %mul3A_218 = arith.muli %convert_element_type3A_197, %mul3A_217 : vector<1x128xi32>
    %add3A_219 = arith.addi %mul3A_218, %min3A_203 : vector<1x128xi32>
    %mul3A_220 = arith.constant 16 : i32
    %mul3A_221 = vector.broadcast %mul3A_220 : i32 to vector<1x128xi32>
    %mul3A_222 = arith.muli %min3A_209, %mul3A_221 : vector<1x128xi32>
    %add3A_223 = arith.addi %mul3A_222, %convert_element_type3A_196 : vector<1x128xi32>
    %mul3A_224 = arith.constant 16 : i32
    %mul3A_225 = vector.broadcast %mul3A_224 : i32 to vector<1x128xi32>
    %mul3A_226 = arith.muli %min3A_209, %mul3A_225 : vector<1x128xi32>
    %add3A_227 = arith.addi %mul3A_226, %min3A_203 : vector<1x128xi32>
    %concatenate3A_228 = tpu.concatenate %add3A_215, %add3A_219, %add3A_223, %add3A_227 in 1 : vector<1x128xi32>, vector<1x128xi32>, vector<1x128xi32>, vector<1x128xi32> -> vector<1x512xi32>
    %sub3A_229 = arith.constant 1.000000e+00 : f32
    %sub3A_230 = vector.broadcast %sub3A_229 : f32 to vector<1x128xf32>
    %sub3A_231 = arith.subf %sub3A_230, %sub3A_210 : vector<1x128xf32>
    %sub3A_232 = arith.constant 1.000000e+00 : f32
    %sub3A_233 = vector.broadcast %sub3A_232 : f32 to vector<1x128xf32>
    %sub3A_234 = arith.subf %sub3A_233, %sub3A_211 : vector<1x128xf32>
    %mul3A_235 = arith.mulf %sub3A_231, %sub3A_234 : vector<1x128xf32>
    %sub3A_236 = arith.constant 1.000000e+00 : f32
    %sub3A_237 = vector.broadcast %sub3A_236 : f32 to vector<1x128xf32>
    %sub3A_238 = arith.subf %sub3A_237, %sub3A_211 : vector<1x128xf32>
    %mul3A_239 = arith.mulf %sub3A_210, %sub3A_238 : vector<1x128xf32>
    %sub3A_240 = arith.constant 1.000000e+00 : f32
    %sub3A_241 = vector.broadcast %sub3A_240 : f32 to vector<1x128xf32>
    %sub3A_242 = arith.subf %sub3A_241, %sub3A_210 : vector<1x128xf32>
    %mul3A_243 = arith.mulf %sub3A_242, %sub3A_211 : vector<1x128xf32>
    %mul3A_244 = arith.mulf %sub3A_210, %sub3A_211 : vector<1x128xf32>
    %mul3A_245 = arith.constant 1.562500e-02 : f32
    %mul3A_246 = vector.broadcast %mul3A_245 : f32 to vector<1x128xf32>
    %mul3A_247 = arith.mulf %mul3A_21, %mul3A_246 : vector<1x128xf32>
    %sub3A_248 = arith.constant 5.000000e-01 : f32
    %sub3A_249 = vector.broadcast %sub3A_248 : f32 to vector<1x128xf32>
    %sub3A_250 = arith.subf %mul3A_247, %sub3A_249 : vector<1x128xf32>
    %jit3A_251 = arith.constant 0.000000e+00 : f32
    %jit3A_252 = arith.constant 7.000000e+00 : f32
    %max3A_253 = vector.broadcast %jit3A_251 : f32 to vector<1x128xf32>
    %max3A_254 = arith.maximumf %max3A_253, %sub3A_250 : vector<1x128xf32>
    %min3A_255 = vector.broadcast %jit3A_252 : f32 to vector<1x128xf32>
    %min3A_256 = arith.minimumf %min3A_255, %max3A_254 : vector<1x128xf32>
    %mul3A_257 = arith.constant 1.562500e-02 : f32
    %mul3A_258 = vector.broadcast %mul3A_257 : f32 to vector<1x128xf32>
    %mul3A_259 = arith.mulf %mul3A_25, %mul3A_258 : vector<1x128xf32>
    %sub3A_260 = arith.constant 5.000000e-01 : f32
    %sub3A_261 = vector.broadcast %sub3A_260 : f32 to vector<1x128xf32>
    %sub3A_262 = arith.subf %mul3A_259, %sub3A_261 : vector<1x128xf32>
    %jit3A_263 = arith.constant 0.000000e+00 : f32
    %jit3A_264 = arith.constant 7.000000e+00 : f32
    %max3A_265 = vector.broadcast %jit3A_263 : f32 to vector<1x128xf32>
    %max3A_266 = arith.maximumf %max3A_265, %sub3A_262 : vector<1x128xf32>
    %min3A_267 = vector.broadcast %jit3A_264 : f32 to vector<1x128xf32>
    %min3A_268 = arith.minimumf %min3A_267, %max3A_266 : vector<1x128xf32>
    %floor3A_269 = math.floor %min3A_256 : vector<1x128xf32>
    %floor3A_270 = math.floor %min3A_268 : vector<1x128xf32>
    %convert_element_type3A_271 = arith.fptosi %floor3A_269 : vector<1x128xf32> to vector<1x128xi32>
    %convert_element_type3A_272 = arith.fptosi %floor3A_270 : vector<1x128xf32> to vector<1x128xi32>
    %add3A_273 = arith.constant 1 : i32
    %add3A_274 = vector.broadcast %add3A_273 : i32 to vector<1x128xi32>
    %add3A_275 = arith.addi %convert_element_type3A_271, %add3A_274 : vector<1x128xi32>
    %min3A_276 = arith.constant 7 : i32
    %min3A_277 = vector.broadcast %min3A_276 : i32 to vector<1x128xi32>
    %min3A_278 = arith.minsi %add3A_275, %min3A_277 : vector<1x128xi32>
    %add3A_279 = arith.constant 1 : i32
    %add3A_280 = vector.broadcast %add3A_279 : i32 to vector<1x128xi32>
    %add3A_281 = arith.addi %convert_element_type3A_272, %add3A_280 : vector<1x128xi32>
    %min3A_282 = arith.constant 7 : i32
    %min3A_283 = vector.broadcast %min3A_282 : i32 to vector<1x128xi32>
    %min3A_284 = arith.minsi %add3A_281, %min3A_283 : vector<1x128xi32>
    %sub3A_285 = arith.subf %min3A_256, %floor3A_269 : vector<1x128xf32>
    %sub3A_286 = arith.subf %min3A_268, %floor3A_270 : vector<1x128xf32>
    %mul3A_287 = arith.constant 8 : i32
    %mul3A_288 = vector.broadcast %mul3A_287 : i32 to vector<1x128xi32>
    %mul3A_289 = arith.muli %convert_element_type3A_272, %mul3A_288 : vector<1x128xi32>
    %add3A_290 = arith.addi %mul3A_289, %convert_element_type3A_271 : vector<1x128xi32>
    %mul3A_291 = arith.constant 8 : i32
    %mul3A_292 = vector.broadcast %mul3A_291 : i32 to vector<1x128xi32>
    %mul3A_293 = arith.muli %convert_element_type3A_272, %mul3A_292 : vector<1x128xi32>
    %add3A_294 = arith.addi %mul3A_293, %min3A_278 : vector<1x128xi32>
    %mul3A_295 = arith.constant 8 : i32
    %mul3A_296 = vector.broadcast %mul3A_295 : i32 to vector<1x128xi32>
    %mul3A_297 = arith.muli %min3A_284, %mul3A_296 : vector<1x128xi32>
    %add3A_298 = arith.addi %mul3A_297, %convert_element_type3A_271 : vector<1x128xi32>
    %mul3A_299 = arith.constant 8 : i32
    %mul3A_300 = vector.broadcast %mul3A_299 : i32 to vector<1x128xi32>
    %mul3A_301 = arith.muli %min3A_284, %mul3A_300 : vector<1x128xi32>
    %add3A_302 = arith.addi %mul3A_301, %min3A_278 : vector<1x128xi32>
    %concatenate3A_303 = tpu.concatenate %add3A_290, %add3A_294, %add3A_298, %add3A_302 in 1 : vector<1x128xi32>, vector<1x128xi32>, vector<1x128xi32>, vector<1x128xi32> -> vector<1x512xi32>
    %sub3A_304 = arith.constant 1.000000e+00 : f32
    %sub3A_305 = vector.broadcast %sub3A_304 : f32 to vector<1x128xf32>
    %sub3A_306 = arith.subf %sub3A_305, %sub3A_285 : vector<1x128xf32>
    %sub3A_307 = arith.constant 1.000000e+00 : f32
    %sub3A_308 = vector.broadcast %sub3A_307 : f32 to vector<1x128xf32>
    %sub3A_309 = arith.subf %sub3A_308, %sub3A_286 : vector<1x128xf32>
    %mul3A_310 = arith.mulf %sub3A_306, %sub3A_309 : vector<1x128xf32>
    %sub3A_311 = arith.constant 1.000000e+00 : f32
    %sub3A_312 = vector.broadcast %sub3A_311 : f32 to vector<1x128xf32>
    %sub3A_313 = arith.subf %sub3A_312, %sub3A_286 : vector<1x128xf32>
    %mul3A_314 = arith.mulf %sub3A_285, %sub3A_313 : vector<1x128xf32>
    %sub3A_315 = arith.constant 1.000000e+00 : f32
    %sub3A_316 = vector.broadcast %sub3A_315 : f32 to vector<1x128xf32>
    %sub3A_317 = arith.subf %sub3A_316, %sub3A_285 : vector<1x128xf32>
    %mul3A_318 = arith.mulf %sub3A_317, %sub3A_286 : vector<1x128xf32>
    %mul3A_319 = arith.mulf %sub3A_285, %sub3A_286 : vector<1x128xf32>
    %broadcast_in_dim3A_320 = arith.constant 0 : i32
    %broadcast_in_dim3A_321 = vector.broadcast %broadcast_in_dim3A_320 : i32 to vector<4x512xi32>
    %concatenate3A_322 = tpu.concatenate %concatenate3A, %concatenate3A_153, %concatenate3A_228, %concatenate3A_303, %broadcast_in_dim3A_321 in 0 : vector<1x512xi32>, vector<1x512xi32>, vector<1x512xi32>, vector<1x512xi32>, vector<4x512xi32> -> vector<8x512xi32>
    %swap3A_323 = arith.constant 0 : index
    %swap3A_324 = arith.constant 0 : index
    %swap3A_325 = vector.load %arg7[%swap3A_323, %swap3A_324] : memref<8x512xi32, #tpu.memory_space<vmem>>, vector<8x512xi32>
    tpu.vector_store %arg7[%swap3A_323, %swap3A_324], %concatenate3A_322 {strides = array<i32>} : memref<8x512xi32, #tpu.memory_space<vmem>>, vector<8x512xi32>,
    %concatenate3A_326 = tpu.concatenate %mul3A_85, %mul3A_89, %mul3A_93, %mul3A_94, %mul3A_160, %mul3A_164, %mul3A_168, %mul3A_169, %mul3A_235, %mul3A_239, %mul3A_243, %mul3A_244, %mul3A_310, %mul3A_314, %mul3A_318, %mul3A_319 in 0 : vector<1x128xf32>, vector<1x128xf32>, vector<1x128xf32>, vector<1x128xf32>, vector<1x128xf32>, vector<1x128xf32>, vector<1x128xf32>, vector<1x128xf32>, vector<1x128xf32>, vector<1x128xf32>, vector<1x128xf32>, vector<1x128xf32>, vector<1x128xf32>, vector<1x128xf32>, vector<1x128xf32>, vector<1x128xf32> -> vector<16x128xf32>
    %transpose3A = tpu.transpose %concatenate3A_326, [1, 0] : vector<16x128xf32> -> vector<128x16xf32>
    %swap3A_327 = arith.constant 0 : index
    %swap3A_328 = arith.constant 0 : index
    %swap3A_329 = vector.load %arg8[%swap3A_327, %swap3A_328] : memref<128x16xf32, #tpu.memory_space<vmem>>, vector<128x16xf32>
    tpu.vector_store %arg8[%swap3A_327, %swap3A_328], %transpose3A {strides = array<i32>} : memref<128x16xf32, #tpu.memory_space<vmem>>, vector<128x16xf32>,
    %broadcast_in_dim3A_330 = arith.constant 0.000000e+00 : f32
    %broadcast_in_dim3A_331 = vector.broadcast %broadcast_in_dim3A_330 : f32 to vector<3x128xf32>
    %concatenate3A_332 = tpu.concatenate %scan3A_14#2, %scan3A_14#3, %scan3A_14#4, %scan3A_14#5, %scan3A_14#6, %broadcast_in_dim3A_331 in 0 : vector<1x128xf32>, vector<1x128xf32>, vector<1x128xf32>, vector<1x128xf32>, vector<1x128xf32>, vector<3x128xf32> -> vector<8x128xf32>
    %transpose3A_333 = tpu.transpose %concatenate3A_332, [1, 0] : vector<8x128xf32> -> vector<128x8xf32>
    %swap3A_334 = arith.constant 0 : index
    %swap3A_335 = arith.constant 0 : index
    %swap3A_336 = vector.load %arg9[%swap3A_334, %swap3A_335] : memref<128x8xf32, #tpu.memory_space<vmem>>, vector<128x8xf32>
    tpu.vector_store %arg9[%swap3A_334, %swap3A_335], %transpose3A_333 {strides = array<i32>} : memref<128x8xf32, #tpu.memory_space<vmem>>, vector<128x8xf32>,
    return
  }
}

module attributes {stable_mosaic.version = 14 : i64} {
  func.func @_mlp_body(%arg0: memref<512x256xf32, #tpu.memory_space<vmem>>, %arg1: memref<512x384xf32, #tpu.memory_space<vmem>>, %arg2: memref<512x640xf32, #tpu.memory_space<vmem>>, %arg3: memref<512x768xf32, #tpu.memory_space<vmem>>, %arg4: memref<128x16xf32, #tpu.memory_space<vmem>>, %arg5: memref<128x8xf32, #tpu.memory_space<vmem>>, %arg6: memref<1920x64xf32, #tpu.memory_space<vmem>>, %arg7: memref<1x64xf32, #tpu.memory_space<vmem>>, %arg8: memref<64x64xf32, #tpu.memory_space<vmem>>, %arg9: memref<1x64xf32, #tpu.memory_space<vmem>>, %arg10: memref<128x68xf32, #tpu.memory_space<vmem>>) attributes {dimension_semantics = [], scalar_prefetch = 0 : i64, scratch_operands = 0 : i64, tpu.core_type = #tpu.core_type<tc>} {
    %broadcast_in_dim3A = arith.constant 0.000000e+00 : f32
    %broadcast_in_dim3A_0 = vector.broadcast %broadcast_in_dim3A : f32 to vector<128x64xf32>
    %broadcast_in_dim3A_1 = arith.constant 0.000000e+00 : f32
    %broadcast_in_dim3A_2 = vector.broadcast %broadcast_in_dim3A_1 : f32 to vector<128x256xf32>
    %get3A = arith.constant 0 : index
    %get3A_3 = arith.constant 0 : index
    %get3A_4 = vector.load %arg4[%get3A, %get3A_3] : memref<128x16xf32, #tpu.memory_space<vmem>>, vector<128x1xf32>
    %get3A_5 = arith.constant 0 : index
    %get3A_6 = arith.constant 0 : index
    %get3A_7 = vector.load %arg0[%get3A_5, %get3A_6] : memref<512x256xf32, #tpu.memory_space<vmem>>, vector<128x256xf32>
    %mul3A = vector.broadcast %get3A_4 : vector<128x1xf32> to vector<128x256xf32>
    %mul3A_8 = arith.mulf %mul3A, %get3A_7 : vector<128x256xf32>
    %add3A = arith.addf %broadcast_in_dim3A_2, %mul3A_8 : vector<128x256xf32>
    %get3A_9 = arith.constant 0 : index
    %get3A_10 = arith.constant 1 : index
    %get3A_11 = vector.load %arg4[%get3A_9, %get3A_10] : memref<128x16xf32, #tpu.memory_space<vmem>>, vector<128x1xf32>
    %get3A_12 = arith.constant 128 : index
    %get3A_13 = arith.constant 0 : index
    %get3A_14 = vector.load %arg0[%get3A_12, %get3A_13] : memref<512x256xf32, #tpu.memory_space<vmem>>, vector<128x256xf32>
    %mul3A_15 = vector.broadcast %get3A_11 : vector<128x1xf32> to vector<128x256xf32>
    %mul3A_16 = arith.mulf %mul3A_15, %get3A_14 : vector<128x256xf32>
    %add3A_17 = arith.addf %add3A, %mul3A_16 : vector<128x256xf32>
    %get3A_18 = arith.constant 0 : index
    %get3A_19 = arith.constant 2 : index
    %get3A_20 = vector.load %arg4[%get3A_18, %get3A_19] : memref<128x16xf32, #tpu.memory_space<vmem>>, vector<128x1xf32>
    %get3A_21 = arith.constant 256 : index
    %get3A_22 = arith.constant 0 : index
    %get3A_23 = vector.load %arg0[%get3A_21, %get3A_22] : memref<512x256xf32, #tpu.memory_space<vmem>>, vector<128x256xf32>
    %mul3A_24 = vector.broadcast %get3A_20 : vector<128x1xf32> to vector<128x256xf32>
    %mul3A_25 = arith.mulf %mul3A_24, %get3A_23 : vector<128x256xf32>
    %add3A_26 = arith.addf %add3A_17, %mul3A_25 : vector<128x256xf32>
    %get3A_27 = arith.constant 0 : index
    %get3A_28 = arith.constant 3 : index
    %get3A_29 = vector.load %arg4[%get3A_27, %get3A_28] : memref<128x16xf32, #tpu.memory_space<vmem>>, vector<128x1xf32>
    %get3A_30 = arith.constant 384 : index
    %get3A_31 = arith.constant 0 : index
    %get3A_32 = vector.load %arg0[%get3A_30, %get3A_31] : memref<512x256xf32, #tpu.memory_space<vmem>>, vector<128x256xf32>
    %mul3A_33 = vector.broadcast %get3A_29 : vector<128x1xf32> to vector<128x256xf32>
    %mul3A_34 = arith.mulf %mul3A_33, %get3A_32 : vector<128x256xf32>
    %add3A_35 = arith.addf %add3A_26, %mul3A_34 : vector<128x256xf32>
    %slice3A = vector.extract_strided_slice %add3A_35 {offsets = [0, 0], sizes = [128, 192], strides = [1, 1]} : vector<128x256xf32> to vector<128x192xf32>
    %get3A_36 = arith.constant 0 : index
    %get3A_37 = arith.constant 0 : index
    %get3A_38 = vector.load %arg6[%get3A_36, %get3A_37] : memref<1920x64xf32, #tpu.memory_space<vmem>>, vector<192x64xf32>
    %dot_general3A = arith.constant dense<0.000000e+00> : vector<128x64xf32>
    %dot_general3A_39 = tpu.matmul %slice3A, %get3A_38, %dot_general3A {dimension_numbers = #tpu.dot_dimension_numbers<[1], [0], [0], [1], [0, 0, 1, 1], [], []>, transpose_lhs_hint = false} : vector<128x192xf32>, vector<192x64xf32>, vector<128x64xf32> -> vector<128x64xf32>
    %add3A_40 = arith.addf %broadcast_in_dim3A_0, %dot_general3A_39 : vector<128x64xf32>
    %broadcast_in_dim3A_41 = arith.constant 0.000000e+00 : f32
    %broadcast_in_dim3A_42 = vector.broadcast %broadcast_in_dim3A_41 : f32 to vector<128x384xf32>
    %get3A_43 = arith.constant 0 : index
    %get3A_44 = arith.constant 4 : index
    %get3A_45 = vector.load %arg4[%get3A_43, %get3A_44] : memref<128x16xf32, #tpu.memory_space<vmem>>, vector<128x1xf32>
    %get3A_46 = arith.constant 0 : index
    %get3A_47 = arith.constant 0 : index
    %get3A_48 = vector.load %arg1[%get3A_46, %get3A_47] : memref<512x384xf32, #tpu.memory_space<vmem>>, vector<128x384xf32>
    %mul3A_49 = vector.broadcast %get3A_45 : vector<128x1xf32> to vector<128x384xf32>
    %mul3A_50 = arith.mulf %mul3A_49, %get3A_48 : vector<128x384xf32>
    %add3A_51 = arith.addf %broadcast_in_dim3A_42, %mul3A_50 : vector<128x384xf32>
    %get3A_52 = arith.constant 0 : index
    %get3A_53 = arith.constant 5 : index
    %get3A_54 = vector.load %arg4[%get3A_52, %get3A_53] : memref<128x16xf32, #tpu.memory_space<vmem>>, vector<128x1xf32>
    %get3A_55 = arith.constant 128 : index
    %get3A_56 = arith.constant 0 : index
    %get3A_57 = vector.load %arg1[%get3A_55, %get3A_56] : memref<512x384xf32, #tpu.memory_space<vmem>>, vector<128x384xf32>
    %mul3A_58 = vector.broadcast %get3A_54 : vector<128x1xf32> to vector<128x384xf32>
    %mul3A_59 = arith.mulf %mul3A_58, %get3A_57 : vector<128x384xf32>
    %add3A_60 = arith.addf %add3A_51, %mul3A_59 : vector<128x384xf32>
    %get3A_61 = arith.constant 0 : index
    %get3A_62 = arith.constant 6 : index
    %get3A_63 = vector.load %arg4[%get3A_61, %get3A_62] : memref<128x16xf32, #tpu.memory_space<vmem>>, vector<128x1xf32>
    %get3A_64 = arith.constant 256 : index
    %get3A_65 = arith.constant 0 : index
    %get3A_66 = vector.load %arg1[%get3A_64, %get3A_65] : memref<512x384xf32, #tpu.memory_space<vmem>>, vector<128x384xf32>
    %mul3A_67 = vector.broadcast %get3A_63 : vector<128x1xf32> to vector<128x384xf32>
    %mul3A_68 = arith.mulf %mul3A_67, %get3A_66 : vector<128x384xf32>
    %add3A_69 = arith.addf %add3A_60, %mul3A_68 : vector<128x384xf32>
    %get3A_70 = arith.constant 0 : index
    %get3A_71 = arith.constant 7 : index
    %get3A_72 = vector.load %arg4[%get3A_70, %get3A_71] : memref<128x16xf32, #tpu.memory_space<vmem>>, vector<128x1xf32>
    %get3A_73 = arith.constant 384 : index
    %get3A_74 = arith.constant 0 : index
    %get3A_75 = vector.load %arg1[%get3A_73, %get3A_74] : memref<512x384xf32, #tpu.memory_space<vmem>>, vector<128x384xf32>
    %mul3A_76 = vector.broadcast %get3A_72 : vector<128x1xf32> to vector<128x384xf32>
    %mul3A_77 = arith.mulf %mul3A_76, %get3A_75 : vector<128x384xf32>
    %add3A_78 = arith.addf %add3A_69, %mul3A_77 : vector<128x384xf32>
    %get3A_79 = arith.constant 192 : index
    %get3A_80 = arith.constant 0 : index
    %get3A_81 = vector.load %arg6[%get3A_79, %get3A_80] : memref<1920x64xf32, #tpu.memory_space<vmem>>, vector<384x64xf32>
    %dot_general3A_82 = arith.constant dense<0.000000e+00> : vector<128x64xf32>
    %dot_general3A_83 = tpu.matmul %add3A_78, %get3A_81, %dot_general3A_82 {dimension_numbers = #tpu.dot_dimension_numbers<[1], [0], [0], [1], [0, 0, 1, 1], [], []>, transpose_lhs_hint = false} : vector<128x384xf32>, vector<384x64xf32>, vector<128x64xf32> -> vector<128x64xf32>
    %add3A_84 = arith.addf %add3A_40, %dot_general3A_83 : vector<128x64xf32>
    %broadcast_in_dim3A_85 = arith.constant 0.000000e+00 : f32
    %broadcast_in_dim3A_86 = vector.broadcast %broadcast_in_dim3A_85 : f32 to vector<128x640xf32>
    %get3A_87 = arith.constant 0 : index
    %get3A_88 = arith.constant 8 : index
    %get3A_89 = vector.load %arg4[%get3A_87, %get3A_88] : memref<128x16xf32, #tpu.memory_space<vmem>>, vector<128x1xf32>
    %get3A_90 = arith.constant 0 : index
    %get3A_91 = arith.constant 0 : index
    %get3A_92 = vector.load %arg2[%get3A_90, %get3A_91] : memref<512x640xf32, #tpu.memory_space<vmem>>, vector<128x640xf32>
    %mul3A_93 = vector.broadcast %get3A_89 : vector<128x1xf32> to vector<128x640xf32>
    %mul3A_94 = arith.mulf %mul3A_93, %get3A_92 : vector<128x640xf32>
    %add3A_95 = arith.addf %broadcast_in_dim3A_86, %mul3A_94 : vector<128x640xf32>
    %get3A_96 = arith.constant 0 : index
    %get3A_97 = arith.constant 9 : index
    %get3A_98 = vector.load %arg4[%get3A_96, %get3A_97] : memref<128x16xf32, #tpu.memory_space<vmem>>, vector<128x1xf32>
    %get3A_99 = arith.constant 128 : index
    %get3A_100 = arith.constant 0 : index
    %get3A_101 = vector.load %arg2[%get3A_99, %get3A_100] : memref<512x640xf32, #tpu.memory_space<vmem>>, vector<128x640xf32>
    %mul3A_102 = vector.broadcast %get3A_98 : vector<128x1xf32> to vector<128x640xf32>
    %mul3A_103 = arith.mulf %mul3A_102, %get3A_101 : vector<128x640xf32>
    %add3A_104 = arith.addf %add3A_95, %mul3A_103 : vector<128x640xf32>
    %get3A_105 = arith.constant 0 : index
    %get3A_106 = arith.constant 10 : index
    %get3A_107 = vector.load %arg4[%get3A_105, %get3A_106] : memref<128x16xf32, #tpu.memory_space<vmem>>, vector<128x1xf32>
    %get3A_108 = arith.constant 256 : index
    %get3A_109 = arith.constant 0 : index
    %get3A_110 = vector.load %arg2[%get3A_108, %get3A_109] : memref<512x640xf32, #tpu.memory_space<vmem>>, vector<128x640xf32>
    %mul3A_111 = vector.broadcast %get3A_107 : vector<128x1xf32> to vector<128x640xf32>
    %mul3A_112 = arith.mulf %mul3A_111, %get3A_110 : vector<128x640xf32>
    %add3A_113 = arith.addf %add3A_104, %mul3A_112 : vector<128x640xf32>
    %get3A_114 = arith.constant 0 : index
    %get3A_115 = arith.constant 11 : index
    %get3A_116 = vector.load %arg4[%get3A_114, %get3A_115] : memref<128x16xf32, #tpu.memory_space<vmem>>, vector<128x1xf32>
    %get3A_117 = arith.constant 384 : index
    %get3A_118 = arith.constant 0 : index
    %get3A_119 = vector.load %arg2[%get3A_117, %get3A_118] : memref<512x640xf32, #tpu.memory_space<vmem>>, vector<128x640xf32>
    %mul3A_120 = vector.broadcast %get3A_116 : vector<128x1xf32> to vector<128x640xf32>
    %mul3A_121 = arith.mulf %mul3A_120, %get3A_119 : vector<128x640xf32>
    %add3A_122 = arith.addf %add3A_113, %mul3A_121 : vector<128x640xf32>
    %slice3A_123 = vector.extract_strided_slice %add3A_122 {offsets = [0, 0], sizes = [128, 576], strides = [1, 1]} : vector<128x640xf32> to vector<128x576xf32>
    %get3A_124 = arith.constant 576 : index
    %get3A_125 = arith.constant 0 : index
    %get3A_126 = vector.load %arg6[%get3A_124, %get3A_125] : memref<1920x64xf32, #tpu.memory_space<vmem>>, vector<576x64xf32>
    %dot_general3A_127 = arith.constant dense<0.000000e+00> : vector<128x64xf32>
    %dot_general3A_128 = tpu.matmul %slice3A_123, %get3A_126, %dot_general3A_127 {dimension_numbers = #tpu.dot_dimension_numbers<[1], [0], [0], [1], [0, 0, 1, 1], [], []>, transpose_lhs_hint = false} : vector<128x576xf32>, vector<576x64xf32>, vector<128x64xf32> -> vector<128x64xf32>
    %add3A_129 = arith.addf %add3A_84, %dot_general3A_128 : vector<128x64xf32>
    %broadcast_in_dim3A_130 = arith.constant 0.000000e+00 : f32
    %broadcast_in_dim3A_131 = vector.broadcast %broadcast_in_dim3A_130 : f32 to vector<128x768xf32>
    %get3A_132 = arith.constant 0 : index
    %get3A_133 = arith.constant 12 : index
    %get3A_134 = vector.load %arg4[%get3A_132, %get3A_133] : memref<128x16xf32, #tpu.memory_space<vmem>>, vector<128x1xf32>
    %get3A_135 = arith.constant 0 : index
    %get3A_136 = arith.constant 0 : index
    %get3A_137 = vector.load %arg3[%get3A_135, %get3A_136] : memref<512x768xf32, #tpu.memory_space<vmem>>, vector<128x768xf32>
    %mul3A_138 = vector.broadcast %get3A_134 : vector<128x1xf32> to vector<128x768xf32>
    %mul3A_139 = arith.mulf %mul3A_138, %get3A_137 : vector<128x768xf32>
    %add3A_140 = arith.addf %broadcast_in_dim3A_131, %mul3A_139 : vector<128x768xf32>
    %get3A_141 = arith.constant 0 : index
    %get3A_142 = arith.constant 13 : index
    %get3A_143 = vector.load %arg4[%get3A_141, %get3A_142] : memref<128x16xf32, #tpu.memory_space<vmem>>, vector<128x1xf32>
    %get3A_144 = arith.constant 128 : index
    %get3A_145 = arith.constant 0 : index
    %get3A_146 = vector.load %arg3[%get3A_144, %get3A_145] : memref<512x768xf32, #tpu.memory_space<vmem>>, vector<128x768xf32>
    %mul3A_147 = vector.broadcast %get3A_143 : vector<128x1xf32> to vector<128x768xf32>
    %mul3A_148 = arith.mulf %mul3A_147, %get3A_146 : vector<128x768xf32>
    %add3A_149 = arith.addf %add3A_140, %mul3A_148 : vector<128x768xf32>
    %get3A_150 = arith.constant 0 : index
    %get3A_151 = arith.constant 14 : index
    %get3A_152 = vector.load %arg4[%get3A_150, %get3A_151] : memref<128x16xf32, #tpu.memory_space<vmem>>, vector<128x1xf32>
    %get3A_153 = arith.constant 256 : index
    %get3A_154 = arith.constant 0 : index
    %get3A_155 = vector.load %arg3[%get3A_153, %get3A_154] : memref<512x768xf32, #tpu.memory_space<vmem>>, vector<128x768xf32>
    %mul3A_156 = vector.broadcast %get3A_152 : vector<128x1xf32> to vector<128x768xf32>
    %mul3A_157 = arith.mulf %mul3A_156, %get3A_155 : vector<128x768xf32>
    %add3A_158 = arith.addf %add3A_149, %mul3A_157 : vector<128x768xf32>
    %get3A_159 = arith.constant 0 : index
    %get3A_160 = arith.constant 15 : index
    %get3A_161 = vector.load %arg4[%get3A_159, %get3A_160] : memref<128x16xf32, #tpu.memory_space<vmem>>, vector<128x1xf32>
    %get3A_162 = arith.constant 384 : index
    %get3A_163 = arith.constant 0 : index
    %get3A_164 = vector.load %arg3[%get3A_162, %get3A_163] : memref<512x768xf32, #tpu.memory_space<vmem>>, vector<128x768xf32>
    %mul3A_165 = vector.broadcast %get3A_161 : vector<128x1xf32> to vector<128x768xf32>
    %mul3A_166 = arith.mulf %mul3A_165, %get3A_164 : vector<128x768xf32>
    %add3A_167 = arith.addf %add3A_158, %mul3A_166 : vector<128x768xf32>
    %get3A_168 = arith.constant 1152 : index
    %get3A_169 = arith.constant 0 : index
    %get3A_170 = vector.load %arg6[%get3A_168, %get3A_169] : memref<1920x64xf32, #tpu.memory_space<vmem>>, vector<768x64xf32>
    %dot_general3A_171 = arith.constant dense<0.000000e+00> : vector<128x64xf32>
    %dot_general3A_172 = tpu.matmul %add3A_167, %get3A_170, %dot_general3A_171 {dimension_numbers = #tpu.dot_dimension_numbers<[1], [0], [0], [1], [0, 0, 1, 1], [], []>, transpose_lhs_hint = false} : vector<128x768xf32>, vector<768x64xf32>, vector<128x64xf32> -> vector<128x64xf32>
    %add3A_173 = arith.addf %add3A_129, %dot_general3A_172 : vector<128x64xf32>
    %get3A_174 = arith.constant 0 : index
    %get3A_175 = arith.constant 0 : index
    %get3A_176 = vector.load %arg7[%get3A_174, %get3A_175] : memref<1x64xf32, #tpu.memory_space<vmem>>, vector<1x64xf32>
    %add3A_177 = vector.broadcast %get3A_176 : vector<1x64xf32> to vector<128x64xf32>
    %add3A_178 = arith.addf %add3A_173, %add3A_177 : vector<128x64xf32>
    %gt3A = arith.constant 0.000000e+00 : f32
    %gt3A_179 = vector.broadcast %gt3A : f32 to vector<128x64xf32>
    %gt3A_180 = arith.cmpf ogt, %add3A_178, %gt3A_179 : vector<128x64xf32>
    %mul3A_181 = arith.constant 0.00999999977 : f32
    %mul3A_182 = vector.broadcast %mul3A_181 : f32 to vector<128x64xf32>
    %mul3A_183 = arith.mulf %mul3A_182, %add3A_178 : vector<128x64xf32>
    %select_n3A = arith.select %gt3A_180, %add3A_178, %mul3A_183 : vector<128x64xi1>, vector<128x64xf32>
    %get3A_184 = arith.constant 0 : index
    %get3A_185 = arith.constant 0 : index
    %get3A_186 = vector.load %arg8[%get3A_184, %get3A_185] : memref<64x64xf32, #tpu.memory_space<vmem>>, vector<64x64xf32>
    %dot_general3A_187 = arith.constant dense<0.000000e+00> : vector<128x64xf32>
    %dot_general3A_188 = tpu.matmul %select_n3A, %get3A_186, %dot_general3A_187 {dimension_numbers = #tpu.dot_dimension_numbers<[1], [0], [0], [1], [0, 0, 1, 1], [], []>, transpose_lhs_hint = false} : vector<128x64xf32>, vector<64x64xf32>, vector<128x64xf32> -> vector<128x64xf32>
    %get3A_189 = arith.constant 0 : index
    %get3A_190 = arith.constant 0 : index
    %get3A_191 = vector.load %arg9[%get3A_189, %get3A_190] : memref<1x64xf32, #tpu.memory_space<vmem>>, vector<1x64xf32>
    %add3A_192 = vector.broadcast %get3A_191 : vector<1x64xf32> to vector<128x64xf32>
    %add3A_193 = arith.addf %dot_general3A_188, %add3A_192 : vector<128x64xf32>
    %gt3A_194 = arith.constant 0.000000e+00 : f32
    %gt3A_195 = vector.broadcast %gt3A_194 : f32 to vector<128x64xf32>
    %gt3A_196 = arith.cmpf ogt, %add3A_193, %gt3A_195 : vector<128x64xf32>
    %mul3A_197 = arith.constant 0.00999999977 : f32
    %mul3A_198 = vector.broadcast %mul3A_197 : f32 to vector<128x64xf32>
    %mul3A_199 = arith.mulf %mul3A_198, %add3A_193 : vector<128x64xf32>
    %select_n3A_200 = arith.select %gt3A_196, %add3A_193, %mul3A_199 : vector<128x64xi1>, vector<128x64xf32>
    %get3A_201 = arith.constant 0 : index
    %get3A_202 = arith.constant 0 : index
    %get3A_203 = vector.load %arg5[%get3A_201, %get3A_202] : memref<128x8xf32, #tpu.memory_space<vmem>>, vector<128x4xf32>
    %mul3A_204 = arith.constant 0.001953125 : f32
    %mul3A_205 = vector.broadcast %mul3A_204 : f32 to vector<128x4xf32>
    %mul3A_206 = arith.mulf %get3A_203, %mul3A_205 : vector<128x4xf32>
    %concatenate3A = tpu.concatenate %mul3A_206, %select_n3A_200 in 1 : vector<128x4xf32>, vector<128x64xf32> -> vector<128x68xf32>
    %get3A_207 = arith.constant 0 : index
    %get3A_208 = arith.constant 4 : index
    %get3A_209 = vector.load %arg5[%get3A_207, %get3A_208] : memref<128x8xf32, #tpu.memory_space<vmem>>, vector<128x1xf32>
    %mul3A_210 = vector.broadcast %get3A_209 : vector<128x1xf32> to vector<128x68xf32>
    %mul3A_211 = arith.mulf %concatenate3A, %mul3A_210 : vector<128x68xf32>
    %swap3A = arith.constant 0 : index
    %swap3A_212 = arith.constant 0 : index
    %swap3A_213 = vector.load %arg10[%swap3A, %swap3A_212] : memref<128x68xf32, #tpu.memory_space<vmem>>, vector<128x68xf32>
    tpu.vector_store %arg10[%swap3A, %swap3A_212], %mul3A_211 {strides = array<i32>} : memref<128x68xf32, #tpu.memory_space<vmem>>, vector<128x68xf32>,
    return
  }
}

</mosaic_0001>

<sc_bundles>
// kernel: kernel.5.cloned.1.call-start
scs
__scs_entry_jumppad:
0x0: {  	(pc) =	sbr.rel $0x88, $3  }
0x1: {  	(tag) =	ssettag $0x0;
	lr =	simm.s32 $0x1  }
0x2: {  	[smem:$0x3F97] =	sst lr;
	_ =	strace $0xD0000000  }
0x3: {  	_ = 	snop  }
0x4: {  	_ = 	snop  }
0x5: {  	_ = 	snop  }
0x6: {  	_ = 	snop  }
0x7: {  	_ = 	snop  }
__scs_overlays_trampoline_lowered:
0x8: {  	[smem:$0x3FA6] =	sst s0  }
0x9: {  	[smem:$0x3FA7] =	sst s1  }
0xa: {  	[smem:$0x3FA8] =	sst s2  }
0xb: {  	[smem:$0x3FA9] =	sst s3  }
0xc: {  	[smem:$0x3FAA] =	sst s4  }
0xd: {  	[smem:$0x3FAB] =	sst s5  }
0xe: {  	[smem:$0x3FAC] =	sst s6  }
0xf: {  	[smem:$0x3FAD] =	sst s7  }
0x10: {  	[smem:$0x3FAE] =	sst s8  }
0x11: {  	[smem:$0x3FAF] =	sst s9;
	s0 =	simm.s32 @!p0 $0x0  }
0x12: {  	s1 =	sld [smem:$0x3F95];
	s0 =	simm.s32 @p0 $0x1  }
0x13: {  	[smem:$0x3FB0] =	sst s0;
	s0 =	simm.s32 @!p1 $0x0  }
0x14: {  	s2 =	sld [smem:$0x3F94];
	s0 =	simm.s32 @p1 $0x1  }
0x15: {  	[smem:$0x3FB1] =	sst s0;
	s0 =	simm.s32 @!p2 $0x0  }
0x16: {  	s3 =	sld [smem:$0x3FDB];
	s0 =	simm.s32 @p2 $0x1  }
0x17: {  	s4 =	simm.s32 $0x1BF5;
	[smem:$0x3FB3] =	sst s0  }
0x18: {  	s0 =	sld [smem:$0x3F96];
	_ =	swait.ge [sflag:s4], $0x0  }
0x19: {  	s7 =	sld [smem:$0x3F97]  }
0x1a: {  	s8 =	sadd.s32 $0xFFFFE003, lr  }
0x1b: {  	s9 =	sadd.s32 $0xFFFFFEF7, lr;
	s5 =	simm.s32 $0xFFFFFFFF;
	p2 =	slt.u32 s8, $0xFFFFF086  }
0x1c: {  	p1 =	slt.u32 s9, $0xF7A;
	s5 =	simm.s32 @!p2 $0x0  }
0x1d: {  	s5 =	simm.s32 @p1 $0x1;
	p0 =	seq.s32 s7, s2  }
0x1e: {  	s7 =	smul.u32 @!p0 $0xF7A, s2;
	p2 =	seq.s32 @!p0 s5, $0x0  }
0x1f: {  	s9 =	smul.u32 $0xF7A, s1;
	s8 =	simm.s32 @!p0 $0x1BF5;
	p2 =	por !p2, p0  }
0x20: {  	[sflag:s8] =	ssyncset.s32 @!p0 $0xFFFFF086;
	s6 =	sadd.s32 @!p0 s3, s7;
	s7 =	simm.s32 @!p0 $0x108  }
0x21: {  	s3 =	sadd.s32 s3, s9;
	s6 =	sadd.s32 @!p0 $0x88, s6;
	s7 =	simm.s32 @p2 $0x1082  }
0x22: {  	[simem:s7], [sflag:s8] =	dma.local @!p0 [hbm:s6], $0xF7A  }
0x23: {  	s9 =	sor.u32 $0xD0000000, s2;
	s6 =	simm.s32 $0x108;
	_ =	swait.ge @!p0 [sflag:s8], $0x0  }
0x24: {  	s3 =	sadd.s32 $0x88, s3;
	s6 =	simm.s32 @!p1 $0x1082;
	[sflag:s4] =	ssyncset.s32 $0xFFFFF086  }
0x25: {  	[simem:s6], [sflag:s4] =	dma.local [hbm:s3], $0xF7A  }
0x26: {  	[smem:$0x3F97] =	sst s1;
	(tag) =	ssettag s2;
	_ =	strace s9  }
0x27: {  	s1 =	sld [smem:$0x3FA7]  }
0x28: {  	s2 =	sld [smem:$0x3FA8]  }
0x29: {  	s4 =	sld [smem:$0x3FAA]  }
0x2a: {  	p0 =	seq.s32 s5, $0x0;
	s5 =	sld [smem:$0x3FAB]  }
0x2b: {  	s6 =	sld [smem:$0x3FAC]  }
0x2c: {  	s7 =	sld [smem:$0x3FAD]  }
0x2d: {  	s3 =	simm.s32 $0x108;
	s8 =	sld [smem:$0x3FAE]  }
0x2e: {  	s3 =	simm.s32 @!p0 $0x1082;
	s9 =	sld [smem:$0x3FAF]  }
0x2f: {  	lr =	sadd.s32 s0, s3;
	s0 =	sld [smem:$0x3FA6]  }
0x30: {  	s3 =	sld [smem:$0x3FA9]  }
0x31: {  	[smem:$0x3FB2] =	sst s10  }
0x32: {  	s10 =	sld [smem:$0x3FB0];
	_ =	sdelay $0x3  }
0x33: {  	p0 =	seq.s32 s10, $0x1;
	s10 =	sld [smem:$0x3FB2];
	_ =	sdelay $0x3  }
0x34: {  	[smem:$0x3FB2] =	sst s10  }
0x35: {  	s10 =	sld [smem:$0x3FB1];
	_ =	sdelay $0x3  }
0x36: {  	p1 =	seq.s32 s10, $0x1;
	s10 =	sld [smem:$0x3FB2];
	_ =	sdelay $0x3  }
0x37: {  	[smem:$0x3FB2] =	sst s10  }
0x38: {  	s10 =	sld [smem:$0x3FB3]  }
0x39: {  	_ = 	snop;
	(pc) =	sbr.ind lr, $3  }
0x3a: {  	_ = 	snop  }
0x3b: {  	_ = 	snop  }
0x3c: {  	p2 =	seq.s32 s10, $0x1;
	s10 =	sld [smem:$0x3FB2]  }
0x3d: {  	_ =	shalt  }
0x3e: {  	_ =	shalt  }
0x3f: {  	_ =	shalt  }
0x40: {  	_ =	shalt  }
0x41: {  	_ =	shalt  }
0x42: {  	_ =	shalt  }
0x43: {  	_ =	shalt  }
0x44: {  	_ =	shalt  }
0x45: {  	_ =	shalt  }
0x46: {  	_ =	shalt  }
0x47: {  	_ =	shalt  }
0x48: {  	_ =	shalt  }
0x49: {  	_ =	shalt  }
0x4a: {  	_ =	shalt  }
0x4b: {  	_ =	shalt  }
0x4c: {  	_ =	shalt  }
0x4d: {  	_ =	shalt  }
0x4e: {  	_ =	shalt  }
0x4f: {  	_ =	shalt  }
0x50: {  	_ =	shalt  }
0x51: {  	_ =	shalt  }
0x52: {  	_ =	shalt  }
0x53: {  	_ =	shalt  }
0x54: {  	_ =	shalt  }
0x55: {  	_ =	shalt  }
0x56: {  	_ =	shalt  }
0x57: {  	_ =	shalt  }
0x58: {  	_ =	shalt  }
0x59: {  	_ =	shalt  }
0x5a: {  	_ =	shalt  }
0x5b: {  	_ =	shalt  }
0x5c: {  	_ =	shalt  }
0x5d: {  	_ =	shalt  }
0x5e: {  	_ =	shalt  }
0x5f: {  	_ =	shalt  }
0x60: {  	_ =	shalt  }
0x61: {  	_ =	shalt  }
0x62: {  	_ =	shalt  }
0x63: {  	_ =	shalt  }
0x64: {  	_ =	shalt  }
0x65: {  	_ =	shalt  }
0x66: {  	_ =	shalt  }
0x67: {  	_ =	shalt  }
0x68: {  	_ =	shalt  }
0x69: {  	_ =	shalt  }
0x6a: {  	_ =	shalt  }
0x6b: {  	_ =	shalt  }
0x6c: {  	_ =	shalt  }
0x6d: {  	_ =	shalt  }
0x6e: {  	_ =	shalt  }
0x6f: {  	_ =	shalt  }
0x70: {  	_ =	shalt  }
0x71: {  	_ =	shalt  }
0x72: {  	_ =	shalt  }
0x73: {  	_ =	shalt  }
0x74: {  	_ =	shalt  }
0x75: {  	_ =	shalt  }
0x76: {  	_ =	shalt  }
0x77: {  	_ =	shalt  }
0x78: {  	_ =	shalt  }
0x79: {  	_ =	shalt  }
0x7a: {  	_ =	shalt  }
0x7b: {  	_ =	shalt  }
0x7c: {  	_ =	shalt  }
0x7d: {  	_ =	shalt  }
0x7e: {  	_ =	shalt  }
0x7f: {  	_ =	shalt  }
0x80: {  	_ =	shalt  }
0x81: {  	_ =	shalt  }
0x82: {  	_ =	shalt  }
0x83: {  	_ =	shalt  }
0x84: {  	_ =	shalt  }
0x85: {  	_ =	shalt  }
0x86: {  	_ =	shalt  }
0x87: {  	_ =	shalt  }
.Lfunc_end0:
.L_simem_size_0:
called_computation_lowered:
.L_overlay_start_0:
0x88: {  	s2 =	sld [smem:$0x3FD9]  }
0x89: {  	s3 =	sld [smem:$0x3FFE];
	_ =	sdelay $0x1  }
0x8a: {  	s1 =	srdreg.scid  }
0x8b: {  	s0 =	sand.u32 $0x1, s1  }
0x8c: {  	s14 =	sshll.u32 s0, $0xA;
	s2 =	sadd.s32 s3, s2  }
0x8d: {  	s2 =	sadd.s32 s2, s14  }
0x8e: {  	[smem:$0x3FBE] =	sst s2  }
0x8f: {  	_ = 	snop  }
0x90: {  	s2 =	sld [smem:$0x3FD0];
	_ =	sdelay $0x1  }
0x91: {  	s15 =	sld [smem:$0x3FC6]  }
0x92: {  	s5 =	simm.s32 $0xA;
	s6 =	simm.s32 $0x10;
	s4 =	sld [smem:$0x3FC4]  }
0x93: {  	[smem:s6], [sflag:s5] =	dma.local [hbm:s2], $0x1  }
0x94: {  	_ =	swait.eq [sflag:s5], $0x1  }
0x95: {  	[sflag:s5] =	ssyncset.done $0x0  }
0x96: {  	[sflag:s5] =	ssyncadd.s32 $0xFFFFFFFF  }
0x97: {  	s16 =	sld [smem:$0x10];
	(tm) =	ssettm $0x1  }
0x98: {  	s17 =	sld [smem:$0x3FFB];
	_ =	sdelay $0x3  }
0x99: {  	_ =	strace s17  }
0x9a: {  	s5 =	sld [smem:$0x3FFC];
	_ =	sdelay $0x3  }
0x9b: {  	_ =	strace s5  }
0x9c: {  	s5 =	sld [smem:$0x3FFD];
	_ =	sdelay $0x3  }
0x9d: {  	_ =	strace s5  }
0x9e: {  	_ =	strace $0x8FFFFFFF  }
0x9f: {  	s18 =	sld [smem:$0x3FDB];
	_ =	sdelay $0x1  }
0xa0: {  	s19 =	simm.s32 $_scs_section_size  }
0xa1: {  	s7 =	simm.s32 $_size__tile_overlayer_lowered;
	s8 =	simm.s32 $_tile_overlayer_lowered  }
0xa2: {  	s22 =	simm.s32 $0x1BFF;
	s21 =	sshll.u32 s8, $0x1;
	s5 =	sadd.s32 s19, s18  }
0xa3: {  	s9 =	simm.s32 $0x0;
	s20 =	sshll.u32 s7, $0x1;
	s7 =	sadd.s32 s21, s5  }
0xa4: {  	[timem:s9], [sflag:s22] =	dma.local [hbm:s7], s20  }
0xa5: {  	_ =	swait.ge [sflag:s22], s20  }
0xa6: {  	s6 =	ssub.s32 $0x0, s20;
	[sflag:s22] =	ssyncset.done $0x0  }
0xa7: {  	[sflag:s22] =	ssyncadd.s32 s6;
	_ =	sdelay $0x1  }
0xa8: {  	s23 =	simm.s32 $0x1B8B  }
0xa9: {  	_ =	swait.ge [sflag:s23], $0x1  }
0xaa: {  	[sflag:s23] =	ssyncset.done $0x0  }
0xab: {  	s25 =	simm.s32 $0x1B8E;
	s24 =	sld [smem:$0x3FFE];
	[sflag:s23] =	ssyncadd.s32 $0xFFFFFFFF  }
0xac: {  	s26 =	simm.s32 $execute0_lowered;
	[smem:$0x3FD2] =	sst s25  }
0xad: {  	s7 =	sshll.u32 s26, $0x1;
	_ =	strace $0x80000046;
	[dreg:$0x1] =	wrdreg $0xFFFFFFFF  }
0xae: {  	s28 =	simm.s32 $_size_execute0_lowered;
	s5 =	sadd.s32 s5, s7;
	[dreg:$0x0] =	wrdreg $0x0  }
0xaf: {  	s7 =	sshll.u32 s28, $0x1;
	[dreg:$0x2] =	wrdreg s5  }
0xb0: {  	[dreg:$0x3] =	wrdreg s7  }
0xb1: {  	[dreg:$0x4] =	wrdreg $0xC0  }
0xb2: {  	_ =	task [dreg:s9], $0x5FFFF  }
0xb3: {  	[dreg:$0x1] =	wrdreg $0xFFFFFFFF  }
0xb4: {  	[dreg:$0x0] =	wrdreg $0x60  }
0xb5: {  	[dreg:$0x2] =	wrdreg s16  }
0xb6: {  	[dreg:$0x3] =	wrdreg s24  }
0xb7: {  	[dreg:$0x4] =	wrdreg s15  }
0xb8: {  	[dreg:$0x5] =	wrdreg s4  }
0xb9: {  	[dreg:$0x6] =	wrdreg $0x9  }
0xba: {  	_ =	task.clear_ibuf [dreg:s9], $0x7FFFF;
	_ =	strace $0x90000046  }
0xbb: {  	s29 =	simm.s32 $0x9;
	_ =	strace $0x80000048  }
0xbc: {  	_ =	swait.ge [sflag:s29], $0x1  }
0xbd: {  	[sflag:s29] =	ssyncadd.s32 $0xFFFFFFFF  }
0xbe: {  	_ =	strace $0x90000048  }
0xbf: {  	_ =	sfence  }
0xc0: {  	s30 =	sld [smem:$0x0];
	_ =	sdelay $0x2  }
0xc1: {  	s31 =	sshll.u32 s1, $0xD;
	s1 =	sshrl.u32 s1, $0x2  }
0xc2: {  	s3 =	sand.u32 $0x4000, s31;
	s1 =	sadd.s32 s1, s30  }
0xc3: {  	s0 =	sor.u32 s3, s0;
	s1 =	sshll.u32 s1, $0x11  }
0xc4: {  	s0 =	sor.u32 s1, s0  }
0xc5: {  	s0 =	sadd.s32 $0x8F2B, s0  }
0xc6: {  	[sflag:s0] =	ssyncadd.remote.s32 $0x1  }
0xc7: {  	_ =	sfence.sel $0xFFFF  }
0xc8: {  	[dreg:$0x0] =	wrdreg $0xFFFFFFFF;
	(pc) =	sbr.abs _section_cstart, $3  }
0xc9: {  	[dreg:$0x1] =	wrdreg $0xFFFFFFFF  }
0xca: {  	_ =	task.clear_ibuf [dreg:s9], $0x2FFFF;
	_ =	strace $0x9FFFFFFF  }
0xcb: {  	(tm) =	ssettm $0x7FFFFFFF  }
tec
execute0_lowered:
.L_overlay_start_1:
0x0: {  	(tag) =	ssettag $0x1  }
0x1: {  	s0 =	rddreg [dreg:$0x0]  }
0x2: {  	s10 =	rddreg [dreg:$0x1]  }
0x3: {  	s1 =	rddreg [dreg:$0x2]  }
0x4: {  	s3 =	rddreg [dreg:$0x3];
	s5 =	srdreg.scid  }
0x5: {  	s4 =	simm.s32 $0x0;
	s2 =	stileid.u32;
	s25 =	simm.s32 $0x880  }
0x6: {  	s26 =	simm.s32 $0x1880;
	s28 =	simm.s32 $0x5880;
	s29 =	simm.s32 $0x6080  }
0x7: {  	s30 =	simm.s32 $0x6880;
	s31 =	simm.s32 $0x7080;
	s8 =	sand.u32 $0x1, s5  }
0x8: {  	[smem:$0x7FF] =	sst s4;
	s6 =	sshll.u32 s2, $0x5;
	s5 =	sadd.s32 $0x1000, s10  }
0x9: {  	s11 =	sshll.u32 s2, $0x8;
	_ =	strace $0x80000047;
	[dreg:$0xc] =	wrdreg s25  }
0xa: {  	s7 =	sshll.u32 s8, $0x4;
	s8 =	ssub.s32 $0x2, s8;
	[dreg:$0xd] =	wrdreg s26  }
0xb: {  	s25 =	simm.s32 $0x4C80;
	s26 =	simm.s32 $0x5080;
	s7 =	sor.u32 s7, s6  }
0xc: {  	s6 =	sadd.s32 $0x21000, s10;
	s19 =	sshrl.u32 s8, $0x1;
	s9 =	sshrl.u32 s7, $0x3  }
0xd: {  	s12 =	sshll.u32 s7, $0x5;
	s7 =	sor.u32 s11, s7;
	s21 =	ssub.s32 s8, s19  }
0xe: {  	s8 =	sadd.s32 $0x100, s1;
	s11 =	sadd.s32 $0x100, s3;
	s13 =	smul.u32 $0x180, s9  }
0xf: {  	s19 =	simm.s32 $0x2480;
	s15 =	smul.u32 $0x280, s9;
	s7 =	sand.u32 $0xC70, s7  }
0x10: {  	s14 =	sadd.s32 s12, s10;
	s9 =	smul.u32 $0x300, s9;
	s7 =	sshrl.u32 s7, $0x3  }
0x11: {  	s16 =	sadd.s32 $0x42000, s14;
	s13 =	sadd.s32 s13, s10;
	s12 =	sadd.s32 s15, s10  }
0x12: {  	s7 =	sadd.s32 s0, s7;
	s14 =	sadd.s32 s9, s10;
	[dreg:$0x5] =	wrdreg s16  }
0x13: {  	s9 =	sadd.s32 $0x21100, s10;
	s10 =	sadd.s32 $0x21200, s10;
	s17 =	sadd.s32 $0x10, s7  }
0x14: {  	s15 =	simm.s32 $0x80;
	s18 =	sadd.s32 $0x3C000, s13;
	[dreg:$0x6] =	wrdreg s17  }
0x15: {  	s16 =	simm.s32 $0x1;
	s20 =	sadd.s32 $0x20, s7;
	[dreg:$0x7] =	wrdreg s18  }
0x16: {  	s0 =	simm.s32 $0x7880;
	s22 =	sadd.s32 $0x32000, s12;
	[dreg:$0x8] =	wrdreg s20  }
0x17: {  	s23 =	sadd.s32 $0x30, s7;
	s12 =	sadd.s32 $0x200, s3;
	[dreg:$0x9] =	wrdreg s22  }
0x18: {  	s24 =	sadd.s32 $0x26000, s14;
	s13 =	smax.u32 s21, $0x1;
	[dreg:$0xa] =	wrdreg s23  }
0x19: {  	v2 =	vlaneseq.u32;
	s14 =	simm.s32 $0x2;
	s21 =	simm.s32 $0x3080;
	[dreg:$0xb] =	wrdreg s24  }
0x1a: {  	vm0 =	vmmov $0xffff;
	vm1 =	vmmov $0xff;
	v1 =	vshrl.u32 v2, $0x3;
	s17 =	simm.s32 $0x1080;
	s18 =	simm.s32 $0x1C80;
	s20 =	simm.s32 $0x2880  }
0x1b: {  	v0 =	vand.u32 $0x7, v2;
	v2 =	vor.u32 $0x8, v2;
	v1 =	vmul.u32 $0x8, v1;
	s22 =	simm.s32 $0x3880;
	s23 =	simm.s32 $0x3C80;
	s24 =	simm.s32 $0x4480  }
.LBB2_1:
0x1c: {  	[tilespmem:s4], [sflag:$0x2] =	stream.linear.gather [hbm4b:s7+s4], $0x10, $0x38;
	[tilespmem:$0x8080] =	vst v63  }
0x1d: {  	_ =	swait.ge [sflag:s14], $0x10  }
0x1e: {  	[sflag:s14] =	ssyncset.done $0x0  }
0x1f: {  	[sflag:s14] =	ssyncadd.s32 $0xFFFFFFF0  }
0x20: {  	v3 =	vld [tilespmem:$0x0];
	_ =	sdelay $0x4  }
0x21: {  	v4 =	vshll.u32 v3, $0x1  }
0x22: {  	v3 =	vand.u32 $0x7, v3;
	v4 =	vand.u32 $0xFFFFFFF0, v4  }
0x23: {  	v3 =	vor.u32 v3, v4  }
0x24: {  	v4 =	vperm.xlane v3, v0;
	_ =	sdelay $0x1  }
0x25: {  	v3 =	vperm.xlane v3, v2;
	v4 =	vadd.s32 v1, v4;
	_ =	sdelay $0x1  }
0x26: {  	v3 =	vadd.s32 v1, v3;
	_ =	sdelay $0x2  }
0x27: {  	[tilespmem:s15], [sflag:$0x1] =	stream.indirect_vreg.gather [hbm4b:s5+s4], $0x80, v4, vm0, $0xb8;
	[tilespmem:$0x8080] =	vst v63  }
0x28: {  	s2 =	rddreg [dreg:$0xc]  }
0x29: {  	[tilespmem:s2], [sflag:$0x1] =	stream.indirect_vreg.gather [hbm4b:s5+s4], $0x80, v3, vm0, $0xb8;
	[tilespmem:$0x8080] =	vst v63  }
0x2a: {  	_ =	swait.ge [sflag:s16], $0x1000  }
0x2b: {  	[sflag:s16] =	ssyncset.done $0x0  }
0x2c: {  	s2 =	rddreg [dreg:$0x5];
	[sflag:s16] =	ssyncadd.s32 $0xFFFFF000  }
0x2d: {  	[hbm4b:s2+s4] =	stream.linear.scatter [tilespmem:s15], [sflag:$0x2], $0x1000, $0x38;
	[tilespmem:$0x8080] =	vst v63  }
0x2e: {  	_ =	swait.ge [sflag:s14], $0x1000  }
0x2f: {  	[sflag:s14] =	ssyncset.done $0x0  }
0x30: {  	s2 =	rddreg [dreg:$0x6];
	[sflag:s14] =	ssyncadd.s32 $0xFFFFF000  }
0x31: {  	[tilespmem:s4], [sflag:$0x2] =	stream.linear.gather [hbm4b:s2+s4], $0x10, $0x38;
	[tilespmem:$0x8080] =	vst v63  }
0x32: {  	_ =	swait.ge [sflag:s14], $0x10  }
0x33: {  	[sflag:s14] =	ssyncset.done $0x0  }
0x34: {  	[sflag:s14] =	ssyncadd.s32 $0xFFFFFFF0  }
0x35: {  	v3 =	vld [tilespmem:$0x0];
	_ =	sdelay $0x4  }
0x36: {  	v61 =	vshrl.u32 v3, $0x3  }
0x37: {  	v4 =	vmul.u32 $0x18, v61  }
0x38: {  	v3 =	vand.u32 $0x7, v3  }
0x39: {  	v3 =	vor.u32 v3, v4  }
0x3a: {  	v4 =	vperm.xlane v3, v0;
	_ =	sdelay $0x1  }
0x3b: {  	v4 =	vadd.s32 v1, v4;
	_ =	sdelay $0x1  }
0x3c: {  	v3 =	vperm.xlane v3, v2;
	_ =	sdelay $0x1  }
0x3d: {  	v3 =	vadd.s32 v1, v3  }
0x3e: {  	[tilespmem:s17], [sflag:$0x1] =	stream.indirect_vreg.gather [hbm4b:s1+s4], $0x80, v4, vm0, $0xb8;
	[tilespmem:$0x8080] =	vst v63  }
0x3f: {  	s2 =	rddreg [dreg:$0xd]  }
0x40: {  	[tilespmem:s2], [sflag:$0x1] =	stream.indirect_vreg.gather [hbm4b:s8+s4], $0x80, v4, vm1, $0xb8;
	[tilespmem:$0x8080] =	vst v63  }
0x41: {  	_ = 	snop  }
0x42: {  	[tilespmem:s18], [sflag:$0x1] =	stream.indirect_vreg.gather [hbm4b:s1+s4], $0x80, v3, vm0, $0xb8;
	[tilespmem:$0x8080] =	vst v63  }
0x43: {  	_ = 	snop  }
0x44: {  	[tilespmem:s19], [sflag:$0x1] =	stream.indirect_vreg.gather [hbm4b:s8+s4], $0x80, v3, vm1, $0xb8;
	[tilespmem:$0x8080] =	vst v63  }
0x45: {  	_ =	swait.ge [sflag:s16], $0x1800  }
0x46: {  	[sflag:s16] =	ssyncset.done $0x0  }
0x47: {  	s2 =	rddreg [dreg:$0x7];
	[sflag:s16] =	ssyncadd.s32 $0xFFFFE800  }
0x48: {  	[hbm4b:s2+s4] =	stream.linear.scatter [tilespmem:s17], [sflag:$0x2], $0x1800, $0x38;
	[tilespmem:$0x8080] =	vst v63  }
0x49: {  	_ =	swait.ge [sflag:s14], $0x1800  }
0x4a: {  	[sflag:s14] =	ssyncset.done $0x0  }
0x4b: {  	s2 =	rddreg [dreg:$0x8];
	[sflag:s14] =	ssyncadd.s32 $0xFFFFE800  }
0x4c: {  	[tilespmem:s4], [sflag:$0x2] =	stream.linear.gather [hbm4b:s2+s4], $0x10, $0x38;
	[tilespmem:$0x8080] =	vst v63  }
0x4d: {  	_ =	swait.ge [sflag:s14], $0x10  }
0x4e: {  	[sflag:s14] =	ssyncset.done $0x0  }
0x4f: {  	[sflag:s14] =	ssyncadd.s32 $0xFFFFFFF0  }
0x50: {  	v3 =	vld [tilespmem:$0x0];
	_ =	sdelay $0x4  }
0x51: {  	v62 =	vshrl.u32 v3, $0x3  }
0x52: {  	v4 =	vmul.u32 $0x28, v62  }
0x53: {  	v3 =	vand.u32 $0x7, v3  }
0x54: {  	v3 =	vor.u32 v3, v4  }
0x55: {  	v4 =	vperm.xlane v3, v0;
	_ =	sdelay $0x1  }
0x56: {  	v4 =	vadd.s32 v1, v4;
	_ =	sdelay $0x3  }
0x57: {  	v3 =	vperm.xlane v3, v2  }
0x58: {  	[tilespmem:s20], [sflag:$0x1] =	stream.indirect_vreg.gather [hbm4b:s6+s4], $0x80, v4, vm0, $0xb8;
	[tilespmem:$0x8080] =	vst v63  }
0x59: {  	v3 =	vadd.s32 v1, v3  }
0x5a: {  	[tilespmem:s21], [sflag:$0x1] =	stream.indirect_vreg.gather [hbm4b:s9+s4], $0x80, v4, vm0, $0xb8;
	[tilespmem:$0x8080] =	vst v63  }
0x5b: {  	_ = 	snop  }
0x5c: {  	[tilespmem:s22], [sflag:$0x1] =	stream.indirect_vreg.gather [hbm4b:s10+s4], $0x80, v4, vm1, $0xb8;
	[tilespmem:$0x8080] =	vst v63  }
0x5d: {  	_ = 	snop  }
0x5e: {  	[tilespmem:s23], [sflag:$0x1] =	stream.indirect_vreg.gather [hbm4b:s6+s4], $0x80, v3, vm0, $0xb8;
	[tilespmem:$0x8080] =	vst v63  }
0x5f: {  	_ = 	snop  }
0x60: {  	[tilespmem:s24], [sflag:$0x1] =	stream.indirect_vreg.gather [hbm4b:s9+s4], $0x80, v3, vm0, $0xb8;
	[tilespmem:$0x8080] =	vst v63  }
0x61: {  	_ = 	snop  }
0x62: {  	[tilespmem:s25], [sflag:$0x1] =	stream.indirect_vreg.gather [hbm4b:s10+s4], $0x80, v3, vm1, $0xb8;
	[tilespmem:$0x8080] =	vst v63  }
0x63: {  	_ =	swait.ge [sflag:s16], $0x2800  }
0x64: {  	[sflag:s16] =	ssyncset.done $0x0  }
0x65: {  	s2 =	rddreg [dreg:$0x9];
	[sflag:s16] =	ssyncadd.s32 $0xFFFFD800  }
0x66: {  	[hbm4b:s2+s4] =	stream.linear.scatter [tilespmem:s20], [sflag:$0x2], $0x2800, $0x38;
	[tilespmem:$0x8080] =	vst v63  }
0x67: {  	_ =	swait.ge [sflag:s14], $0x2800  }
0x68: {  	[sflag:s14] =	ssyncset.done $0x0  }
0x69: {  	s2 =	rddreg [dreg:$0xa];
	[sflag:s14] =	ssyncadd.s32 $0xFFFFD800  }
0x6a: {  	[tilespmem:s4], [sflag:$0x2] =	stream.linear.gather [hbm4b:s2+s4], $0x10, $0x38;
	[tilespmem:$0x8080] =	vst v63  }
0x6b: {  	_ =	swait.ge [sflag:s14], $0x10  }
0x6c: {  	[sflag:s14] =	ssyncset.done $0x0  }
0x6d: {  	[sflag:s14] =	ssyncadd.s32 $0xFFFFFFF0  }
0x6e: {  	v3 =	vld [tilespmem:$0x0];
	_ =	sdelay $0x4  }
0x6f: {  	v63 =	vshrl.u32 v3, $0x3  }
0x70: {  	v4 =	vmul.u32 $0x30, v63  }
0x71: {  	v3 =	vand.u32 $0x7, v3  }
0x72: {  	v3 =	vor.u32 v3, v4  }
0x73: {  	v4 =	vperm.xlane v3, v0;
	_ =	sdelay $0x1  }
0x74: {  	v4 =	vadd.s32 v1, v4;
	_ =	sdelay $0x3  }
0x75: {  	v3 =	vperm.xlane v3, v2  }
0x76: {  	[tilespmem:s26], [sflag:$0x1] =	stream.indirect_vreg.gather [hbm4b:s3+s4], $0x80, v4, vm0, $0xb8;
	[tilespmem:$0x8080] =	vst v63  }
0x77: {  	v3 =	vadd.s32 v1, v3  }
0x78: {  	[tilespmem:s28], [sflag:$0x1] =	stream.indirect_vreg.gather [hbm4b:s11+s4], $0x80, v4, vm0, $0xb8;
	[tilespmem:$0x8080] =	vst v63  }
0x79: {  	_ = 	snop  }
0x7a: {  	[tilespmem:s29], [sflag:$0x1] =	stream.indirect_vreg.gather [hbm4b:s12+s4], $0x80, v4, vm0, $0xb8;
	[tilespmem:$0x8080] =	vst v63  }
0x7b: {  	_ = 	snop  }
0x7c: {  	[tilespmem:s30], [sflag:$0x1] =	stream.indirect_vreg.gather [hbm4b:s3+s4], $0x80, v3, vm0, $0xb8;
	[tilespmem:$0x8080] =	vst v63  }
0x7d: {  	_ = 	snop  }
0x7e: {  	[tilespmem:s31], [sflag:$0x1] =	stream.indirect_vreg.gather [hbm4b:s11+s4], $0x80, v3, vm0, $0xb8;
	[tilespmem:$0x8080] =	vst v63  }
0x7f: {  	_ = 	snop  }
0x80: {  	[tilespmem:s0], [sflag:$0x1] =	stream.indirect_vreg.gather [hbm4b:s12+s4], $0x80, v3, vm0, $0xb8;
	[tilespmem:$0x8080] =	vst v63  }
0x81: {  	_ =	swait.ge [sflag:s16], $0x3000  }
0x82: {  	p0 =	sne.s32 s13, $0x1;
	[sflag:s16] =	ssyncset.done $0x0  }
.Ltmp0:
0x83: {  	s2 =	rddreg [dreg:$0xb];
	[sflag:s16] =	ssyncadd.s32 $0xFFFFD000;
	(pc) =	sbr.rel @p0 .LBB2_1-.Ltmp0, $4  }
0x84: {  	[hbm4b:s2+s4] =	stream.linear.scatter [tilespmem:s26], [sflag:$0x2], $0x3000, $0x38;
	[tilespmem:$0x8080] =	vst v63  }
0x85: {  	_ =	swait.ge [sflag:s14], $0x3000  }
0x86: {  	[sflag:s14] =	ssyncset.done $0x0  }
0x87: {  	s13 =	sadd.s32 $0xFFFFFFFF, s13;
	[sflag:s14] =	ssyncadd.s32 $0xFFFFD000  }
0x88: {  	_ =	sfence.sel $0x180000  }
0x89: {  	[bflag:$0x0] =	sbarrier.arrive $0xFFFF  }
0x8a: {  	_ =	strace $0x90000047  }
0x8b: {  	s0 =	stileid.u32;
	[bflag:$0x2] =	sbarrier.arrive $0xFFFF  }
0x8c: {  	p0 =	sne.s32 s0, $0x0;
	s0 =	rddreg [dreg:$0x4]  }
0x8d: {  	s0 =	sadd.s32 @!p0 $0x100000, s0  }
0x8e: {  	[sflag:s0] =	ssyncadd.tile.s32 @!p0 $0x1;
	_ =	shalt  }
.Lfunc_end2:
_tile_overlayer_lowered:
.L_overlay_start_2:
0x8f: {  	(tag) =	ssettag $0x2  }
0x90: {  	s0 =	rddreg [dreg:$0x0];
	s2 =	stileid.u32  }
0x91: {  	s1 =	rddreg [dreg:$0x1];
	p0 =	sne.s32 s2, $0x0  }
0x92: {  	s3 =	rddreg [dreg:$0x2];
	[bflag:$0x3] =	sbarrier.arrive $0xFFFF;
	s2 =	simm.s32 @!p0 $0x1C02  }
0x93: {  	[timem:s3], [sflag:s2] =	dma.local @!p0 [hbm:s0], s1  }
0x94: {  	s0 =	simm.s32 @!p0 $0x2  }
0x95: {  	_ =	swait.ge @!p0 [sflag:s0], s1  }
0x96: {  	s1 =	ssub.s32 @!p0 $0x0, s1;
	[sflag:s0] =	ssyncset.done @!p0 $0x0  }
0x97: {  	[sflag:s0] =	ssyncadd.s32 @!p0 s1  }
0x98: {  	[bflag:$0x3] =	sbarrier.arrive $0xFFFF  }
0x99: {  	_ =	shalt  }

</sc_bundles>
